<compile_context>
chip_gen: v7x
topology: tpu7x:2x2x1
jax: 0.10.2.dev20260603
libtpu: 0.0.44.dev20260713+nightly
codegen_flags: <defaults>
</compile_context>

<pallas_src>
import functools

import jax
import jax.numpy as jnp
from jax import lax
from jax.experimental import pallas as pl
from jax.experimental.pallas import tpu as pltpu
from jax.experimental.pallas import tpu_sc as plsc

N = 10000
M = 32
D = 128
BD = 16
OUT_D = 2 * D
E = N * M

_NC = 2
_NS = 16
_NW = _NC * _NS

_S = 1
_SE = E // _S
_SN = N // _S
_PER_W = _SE // _NW
_CHUNK = 200
_NCHUNK = _PER_W // _CHUNK

_EPS = 1e-5


def _sc_gather(table, idx_flat):
    mesh = plsc.VectorSubcoreMesh(core_axis_name="c", subcore_axis_name="s")

    @functools.partial(
        pl.kernel,
        out_type=jax.ShapeDtypeStruct((_SE, D), jnp.float32),
        mesh=mesh,
        scratch_types=[pltpu.VMEM((_PER_W,), jnp.int32)]
        + [pltpu.VMEM((_CHUNK, D), jnp.float32)] * 4
        + [pltpu.SemaphoreType.DMA] * 8,
    )
    def gather_kernel(table_hbm, idx_hbm, out_hbm, idx_v, r0, r1, r2, r3,
                      g0, g1, g2, g3, o0, o1, o2, o3):
        wid = lax.axis_index("s") * _NC + lax.axis_index("c")
        base = pl.multiple_of(wid * _PER_W, 8)
        rows = (r0, r1, r2, r3)
        gsems = (g0, g1, g2, g3)
        osems = (o0, o1, o2, o3)

        pltpu.sync_copy(idx_hbm.at[pl.ds(base, _PER_W)], idx_v)

        def issue_gather(k, b):
            loc = pl.multiple_of(k * _CHUNK, 8)
            pltpu.async_copy(
                table_hbm.at[idx_v.at[pl.ds(loc, _CHUNK)]], rows[b],
                gsems[b])

        def wait_gather(b):
            pltpu.make_async_copy(
                table_hbm.at[pl.ds(0, _CHUNK)], rows[b], gsems[b]).wait()

        def start_out(k, b):
            off = pl.multiple_of(base + k * _CHUNK, 8)
            pltpu.async_copy(rows[b], out_hbm.at[pl.ds(off, _CHUNK)],
                             osems[b])

        def drain_out(b):
            pltpu.make_async_copy(
                out_hbm.at[pl.ds(base, _CHUNK)], rows[b], osems[b]).wait()

        def step(k, b, do_drain, do_issue):
            wait_gather(b)
            start_out(k, b)
            if do_issue:
                b2 = (b + 2) % 4
                if do_drain:
                    drain_out(b2)
                issue_gather(k + 2, b2)

        issue_gather(0, 0)
        issue_gather(1, 1)
        step(0, 0, False, True)
        step(1, 1, False, True)
        step(2, 2, True, True)
        step(3, 3, True, True)

        def body(j, carry):
            for b in range(4):
                step(j * 4 + b, b, True, True)
            return carry

        lax.fori_loop(1, _NCHUNK // 4, body, 0)

        step(_NCHUNK - 2, 0, False, False)
        step(_NCHUNK - 1, 1, False, False)
        for b in (2, 3, 0, 1):
            drain_out(b)

    return gather_kernel(table, idx_flat)


def _bf16_dot(a, w):
    return jnp.dot(a, w, preferred_element_type=jnp.float32,
                   precision=lax.Precision.DEFAULT)


def _edges(bond_ref):
    return bond_ref[...].reshape(_BE, BD)


_NB = 400
_NBLK = N // _NB
_BE = _NB * M


def _edge_y(a_ref, ag_ref, bond_ref, ws_ref, wn_ref, wb_ref, b_ref):
    p = _bf16_dot(a_ref[...], ws_ref[...]) + b_ref[...]
    y = _bf16_dot(ag_ref[...], wn_ref[...])
    y = y + _bf16_dot(_edges(bond_ref), wb_ref[...])
    return y.reshape(_NB, M, OUT_D) + p[:, None, :]


def _pass1_body(a_ref, ag_ref, bond_ref, ws_ref, wn_ref, wb_ref, b_ref,
                stats_ref):
    i = pl.program_id(0)
    y3 = _edge_y(a_ref, ag_ref, bond_ref, ws_ref, wn_ref, wb_ref, b_ref)
    s = jnp.sum(y3, axis=(0, 1))
    ss = jnp.sum(y3 * y3, axis=(0, 1))

    @pl.when(i == 0)
    def _():
        stats_ref[...] = jnp.zeros_like(stats_ref)

    stats_ref[0:1, :] += s[None, :]
    stats_ref[1:2, :] += ss[None, :]


def _pass2_body(a_ref, ag_ref, bond_ref, ws_ref, wn_ref, wb_ref, b_ref,
                stats2_ref, g2_ref, bt2_ref, s_ref, stats1_ref):
    i = pl.program_id(0)
    inv_b = 1.0 / E
    st = jnp.sum(stats2_ref[...].reshape(_S, 8, OUT_D), axis=0)
    mean = st[0:1, :] * inv_b
    var = st[1:2, :] * inv_b - mean * mean
    inv = lax.rsqrt(var + _EPS)
    scale = g2_ref[...] * inv
    shift = bt2_ref[...] - mean * scale

    y3 = _edge_y(a_ref, ag_ref, bond_ref, ws_ref, wn_ref, wb_ref, b_ref)
    s_blk = jnp.zeros((_NB, D), jnp.float32)
    for m in range(M):
        zm = y3[:, m, :] * scale + shift
        filt = zm[:, :D]
        core = zm[:, D:]
        sig = 1.0 / (1.0 + jnp.exp(-filt))
        sp = jnp.maximum(core, 0.0) + jnp.log1p(jnp.exp(-jnp.abs(core)))
        s_blk = s_blk + sig * sp
    s_ref[...] = s_blk

    @pl.when(i == 0)
    def _():
        stats1_ref[...] = jnp.zeros_like(stats1_ref)

    stats1_ref[0:1, :] += jnp.sum(s_blk, axis=0)[None, :]
    stats1_ref[1:2, :] += jnp.sum(s_blk * s_blk, axis=0)[None, :]


def _final_body(atom_ref, s_ref, stats1_ref, g1_ref, bt1_ref, out_ref):
    inv_n = 1.0 / N
    st = jnp.sum(stats1_ref[...].reshape(_S, 8, D), axis=0)
    mean = st[0:1, :] * inv_n
    var = st[1:2, :] * inv_n - mean * mean
    inv = lax.rsqrt(var + _EPS)
    scale = g1_ref[...] * inv
    shift = bt1_ref[...] - mean * scale
    x = atom_ref[...] + s_ref[...] * scale + shift
    out_ref[...] = jnp.maximum(x, 0.0) + jnp.log1p(jnp.exp(-jnp.abs(x)))


def _tc_pipeline(atom_in_fea, a_gs, bond3, ws, wn, wb, b2, g2, bt2, g1, bt1):
    a_g = a_gs[0]
    full = lambda shape: pl.BlockSpec(shape, lambda i: (0, 0))
    a_spec = pl.BlockSpec((_NB, D), lambda i: (i, 0))
    ag_spec = pl.BlockSpec((_BE, D), lambda i: (i, 0))
    bond_spec = pl.BlockSpec((_NB, M, BD), lambda i: (i, 0, 0))
    w_specs = [full((D, OUT_D)), full((D, OUT_D)), full((BD, OUT_D)),
               full((1, OUT_D))]

    stats2 = pl.pallas_call(
        _pass1_body,
        grid=(_NBLK,),
        in_specs=[a_spec, ag_spec, bond_spec] + w_specs,
        out_specs=full((8, OUT_D)),
        out_shape=jax.ShapeDtypeStruct((8, OUT_D), jnp.float32),
    )(atom_in_fea, a_g, bond3, ws, wn, wb, b2)

    s, stats1 = pl.pallas_call(
        _pass2_body,
        grid=(_NBLK,),
        in_specs=[a_spec, ag_spec, bond_spec] + w_specs
        + [full((_S * 8, OUT_D)), full((1, OUT_D)), full((1, OUT_D))],
        out_specs=[pl.BlockSpec((_NB, D), lambda i: (i, 0)), full((8, D))],
        out_shape=[jax.ShapeDtypeStruct((N, D), jnp.float32),
                   jax.ShapeDtypeStruct((8, D), jnp.float32)],
    )(atom_in_fea, a_g, bond3, ws, wn, wb, b2, stats2, g2, bt2)

    _FB = 2000
    out = pl.pallas_call(
        _final_body,
        grid=(N // _FB,),
        in_specs=[pl.BlockSpec((_FB, D), lambda i: (i, 0)),
                  pl.BlockSpec((_FB, D), lambda i: (i, 0)),
                  full((_S * 8, D)), full((1, D)), full((1, D))],
        out_specs=pl.BlockSpec((_FB, D), lambda i: (i, 0)),
        out_shape=jax.ShapeDtypeStruct((N, D), jnp.float32),
    )(atom_in_fea, s, stats1, g1, bt1)
    return out


def kernel(atom_in_fea, bond_nbr_fea, nbr_fea_idx, W, b, gamma2, beta2,
           gamma1, beta1):
    idx_flat = nbr_fea_idx.reshape(-1).astype(jnp.int32)
    ws = W[:D, :]
    wn = W[D:2 * D, :]
    wb = W[2 * D:, :]
    b2 = b.reshape(1, OUT_D)
    g2 = gamma2.reshape(1, OUT_D)
    bt2 = beta2.reshape(1, OUT_D)
    g1 = gamma1.reshape(1, D)
    bt1 = beta1.reshape(1, D)

    a_gs = [_sc_gather(atom_in_fea, idx_flat[k * _SE:(k + 1) * _SE])
            for k in range(_S)]
    return _tc_pipeline(atom_in_fea, a_gs, bond_nbr_fea.astype(jnp.bfloat16),
                        ws, wn, wb, b2, g2, bt2, g1, bt1)

# --- scband reference (transcript-rebuilt; emitter-appended) ---
"""Pipeline reference for scband-message-layer-87771951661333 (READ-ONLY COPY).

The authoritative reference and input builder live on the scoring server;
editing this copy changes nothing except your own understanding.
"""

import jax, jax.numpy as jnp
import numpy as np

ATOM_FEA_LEN = 128
NBR_FEA_LEN = 16
N = 10000
M = 32


def setup_inputs(seed: int = 0) -> dict:
    key = jax.random.key(seed)
    k1, k2, k3, k4, k5 = jax.random.split(key, 5)
    atom_in_fea = jax.random.normal(k1, (N, ATOM_FEA_LEN), dtype=jnp.float32)
    bond_nbr_fea = jax.random.normal(k2, (N, M, NBR_FEA_LEN), dtype=jnp.float32)
    nbr_fea_idx = jax.random.randint(k3, (N, M), 0, N, dtype=jnp.int64 if jax.config.jax_enable_x64 else jnp.int32)
    in_dim = 2 * ATOM_FEA_LEN + NBR_FEA_LEN
    out_dim = 2 * ATOM_FEA_LEN
    W = jax.random.normal(k4, (in_dim, out_dim), dtype=jnp.float32) * (1.0 / np.sqrt(in_dim))
    b = jax.random.normal(k5, (out_dim,), dtype=jnp.float32) * 0.01
    gamma2 = jnp.ones((out_dim,), dtype=jnp.float32)
    beta2 = jnp.zeros((out_dim,), dtype=jnp.float32)
    gamma1 = jnp.ones((ATOM_FEA_LEN,), dtype=jnp.float32)
    beta1 = jnp.zeros((ATOM_FEA_LEN,), dtype=jnp.float32)
    return {"atom_in_fea": atom_in_fea, "bond_nbr_fea": bond_nbr_fea, "nbr_fea_idx": nbr_fea_idx,
            "W": W, "b": b, "gamma2": gamma2, "beta2": beta2, "gamma1": gamma1, "beta1": beta1}


def _batchnorm(x, gamma, beta, eps=1e-5):
    # PyTorch BatchNorm1d in training mode: biased batch variance
    mean = jnp.mean(x, axis=0)
    var = jnp.var(x, axis=0)
    return (x - mean) / jnp.sqrt(var + eps) * gamma + beta


def reference(atom_in_fea, bond_nbr_fea, nbr_fea_idx, W, b, gamma2, beta2, gamma1, beta1):
    n, m = nbr_fea_idx.shape
    d = atom_in_fea.shape[1]
    # gather neighbour atom features (SparseCore-friendly gather)
    atom_nbr_fea = jnp.take(atom_in_fea, nbr_fea_idx, axis=0)          # [N, M, d]
    atom_self_fea = jnp.broadcast_to(atom_in_fea[:, None, :], (n, m, d))
    total_fea = jnp.concatenate([atom_self_fea, atom_nbr_fea, bond_nbr_fea], axis=2)
    total_fea = total_fea @ W + b                                      # [N, M, 2d]
    total_fea = _batchnorm(total_fea.reshape(-1, 2 * d), gamma2, beta2)
    total_fea = total_fea.reshape(n, m, 2 * d)
    nbr_filter = total_fea[..., :d]
    nbr_core = total_fea[..., d:]
    nbr_filter = jax.nn.sigmoid(nbr_filter)
    nbr_core = jax.nn.softplus(nbr_core)
    nbr_sumed = jnp.sum(nbr_filter * nbr_core, axis=1)                 # [N, d]
    nbr_sumed = _batchnorm(nbr_sumed, gamma1, beta1)
    atom_out_fea = jax.nn.softplus(atom_in_fea + nbr_sumed)
    return atom_out_fea

if __name__ == "__main__":
    import jax
    _d = setup_inputs()
    print(jax.jit(kernel)(*tuple(_d.values())))

</pallas_src>

<mosaic_0001>
#map = affine_map<(d0, d1) -> (0, 0)>
#map1 = affine_map<(d0, d1) -> (0)>
module attributes {stable_mosaic.version = 14 : i64} {
  func.func @gather_kernel(%arg0: i32, %arg1: i32, %arg2: memref<10000x128xf32, #tpu.memory_space<hbm>>, %arg3: memref<320000xi32, #tpu.memory_space<hbm>>, %arg4: memref<320000x128xf32, #tpu.memory_space<hbm>>, %arg5: memref<10000xi32, #tpu.memory_space<vmem>>, %arg6: memref<200x128xf32, #tpu.memory_space<vmem>>, %arg7: memref<200x128xf32, #tpu.memory_space<vmem>>, %arg8: memref<200x128xf32, #tpu.memory_space<vmem>>, %arg9: memref<200x128xf32, #tpu.memory_space<vmem>>, %arg10: memref<!tpu.dma_semaphore, #tpu.memory_space<semaphore_mem>>, %arg11: memref<!tpu.dma_semaphore, #tpu.memory_space<semaphore_mem>>, %arg12: memref<!tpu.dma_semaphore, #tpu.memory_space<semaphore_mem>>, %arg13: memref<!tpu.dma_semaphore, #tpu.memory_space<semaphore_mem>>, %arg14: memref<!tpu.dma_semaphore, #tpu.memory_space<semaphore_mem>>, %arg15: memref<!tpu.dma_semaphore, #tpu.memory_space<semaphore_mem>>, %arg16: memref<!tpu.dma_semaphore, #tpu.memory_space<semaphore_mem>>, %arg17: memref<!tpu.dma_semaphore, #tpu.memory_space<semaphore_mem>>) attributes {dimension_semantics = [#tpu.dimension_semantics<core_parallel>, #tpu.dimension_semantics<subcore_parallel>], iteration_bounds = array<i64: 2, 16>, scalar_prefetch = 0 : i64, scratch_operands = 13 : i64, tpu.core_type = #tpu.core_type<sc_vector_subcore>, window_params = [{transform_indices = #map}, {transform_indices = #map1}, {transform_indices = #map}]} {
    %mul3A = arith.constant 2 : i32
    %mul3A_0 = arith.muli %arg1, %mul3A : i32
    %add3A = arith.addi %mul3A_0, %arg0 : i32
    %mul3A_1 = arith.constant 10000 : i32
    %mul3A_2 = arith.muli %add3A, %mul3A_1 : i32
    %multiple_of3A = tpu.assume_multiple %mul3A_2, 8 : i32
    "tpu.region"() ({
      %run_scoped3A = tpu.sem_alloc : memref<!tpu.dma_semaphore, #tpu.memory_space<semaphore_mem>>
      %dma_start3A_144 = tpu.memref_slice %arg3[%multiple_of3A] : memref<320000xi32, #tpu.memory_space<hbm>> -> memref<10000xi32, #tpu.memory_space<hbm>>
      %dma_start3A_145 = tpu.memref_slice %arg3[%multiple_of3A] : memref<320000xi32, #tpu.memory_space<hbm>> -> memref<10000xi32, #tpu.memory_space<hbm>>
      tpu.enqueue_dma source(%dma_start3A_145 : memref<10000xi32, #tpu.memory_space<hbm>>) target(%arg5 : memref<10000xi32, #tpu.memory_space<vmem>>) target_semaphore(%run_scoped3A : memref<!tpu.dma_semaphore, #tpu.memory_space<semaphore_mem>>)
      %dma_wait3A_146 = tpu.memref_slice %arg3[%multiple_of3A] : memref<320000xi32, #tpu.memory_space<hbm>> -> memref<10000xi32, #tpu.memory_space<hbm>>
      %dma_wait3A_147 = tpu.memref_slice %arg3[%multiple_of3A] : memref<320000xi32, #tpu.memory_space<hbm>> -> memref<10000xi32, #tpu.memory_space<hbm>>
      tpu.wait_dma2 semaphore(%run_scoped3A : memref<!tpu.dma_semaphore, #tpu.memory_space<semaphore_mem>>) src(%dma_wait3A_147 : memref<10000xi32, #tpu.memory_space<hbm>>) dst(%arg5 : memref<10000xi32, #tpu.memory_space<vmem>>)
      tpu.yield
    }) : () -> ()
    %multiple_of3A_3 = arith.constant 0 : i32
    %multiple_of3A_4 = tpu.assume_multiple %multiple_of3A_3, 8 : i32
    %dma_start3A = tpu.memref_slice %arg5[%multiple_of3A_4] : memref<10000xi32, #tpu.memory_space<vmem>> -> memref<200xi32, #tpu.memory_space<vmem>>
    %dma_start3A_5 = arith.constant 0 : i32
    %dma_start3A_6 = arith.constant 0 : i32
    %dma_start3A_7 = tpu.memref_slice %arg2[%dma_start3A_5, %dma_start3A_6] : memref<10000x128xf32, #tpu.memory_space<hbm>> -> memref<10000x128xf32, #tpu.memory_space<hbm>>
    tpu.enqueue_indirect_dma source(%dma_start3A_7 : memref<10000x128xf32, #tpu.memory_space<hbm>>) target(%arg6 : memref<200x128xf32, #tpu.memory_space<vmem>>) offsets(%dma_start3A : memref<200xi32, #tpu.memory_space<vmem>>) semaphore(%arg10 : memref<!tpu.dma_semaphore, #tpu.memory_space<semaphore_mem>>)
    %multiple_of3A_8 = arith.constant 200 : i32
    %multiple_of3A_9 = tpu.assume_multiple %multiple_of3A_8, 8 : i32
    %dma_start3A_10 = tpu.memref_slice %arg5[%multiple_of3A_9] : memref<10000xi32, #tpu.memory_space<vmem>> -> memref<200xi32, #tpu.memory_space<vmem>>
    %dma_start3A_11 = arith.constant 0 : i32
    %dma_start3A_12 = arith.constant 0 : i32
    %dma_start3A_13 = tpu.memref_slice %arg2[%dma_start3A_11, %dma_start3A_12] : memref<10000x128xf32, #tpu.memory_space<hbm>> -> memref<10000x128xf32, #tpu.memory_space<hbm>>
    tpu.enqueue_indirect_dma source(%dma_start3A_13 : memref<10000x128xf32, #tpu.memory_space<hbm>>) target(%arg7 : memref<200x128xf32, #tpu.memory_space<vmem>>) offsets(%dma_start3A_10 : memref<200xi32, #tpu.memory_space<vmem>>) semaphore(%arg11 : memref<!tpu.dma_semaphore, #tpu.memory_space<semaphore_mem>>)
    %dma_wait3A = arith.constant 0 : i32
    %dma_wait3A_14 = arith.constant 0 : i32
    %dma_wait3A_15 = tpu.memref_slice %arg2[%dma_wait3A, %dma_wait3A_14] : memref<10000x128xf32, #tpu.memory_space<hbm>> -> memref<200x128xf32, #tpu.memory_space<hbm>>
    %dma_wait3A_16 = arith.constant 0 : i32
    %dma_wait3A_17 = arith.constant 0 : i32
    %dma_wait3A_18 = tpu.memref_slice %arg2[%dma_wait3A_16, %dma_wait3A_17] : memref<10000x128xf32, #tpu.memory_space<hbm>> -> memref<200x128xf32, #tpu.memory_space<hbm>>
    tpu.wait_dma2 semaphore(%arg10 : memref<!tpu.dma_semaphore, #tpu.memory_space<semaphore_mem>>) src(%dma_wait3A_18 : memref<200x128xf32, #tpu.memory_space<hbm>>) dst(%arg6 : memref<200x128xf32, #tpu.memory_space<vmem>>)
    %add3A_19 = arith.constant 0 : i32
    %add3A_20 = arith.addi %multiple_of3A, %add3A_19 : i32
    %multiple_of3A_21 = tpu.assume_multiple %add3A_20, 8 : i32
    %dma_start3A_22 = arith.constant 0 : i32
    %dma_start3A_23 = tpu.memref_slice %arg4[%multiple_of3A_21, %dma_start3A_22] : memref<320000x128xf32, #tpu.memory_space<hbm>> -> memref<200x128xf32, #tpu.memory_space<hbm>>
    %dma_start3A_24 = arith.constant 0 : i32
    %dma_start3A_25 = tpu.memref_slice %arg4[%multiple_of3A_21, %dma_start3A_24] : memref<320000x128xf32, #tpu.memory_space<hbm>> -> memref<200x128xf32, #tpu.memory_space<hbm>>
    tpu.enqueue_dma source(%arg6 : memref<200x128xf32, #tpu.memory_space<vmem>>) target(%dma_start3A_25 : memref<200x128xf32, #tpu.memory_space<hbm>>) target_semaphore(%arg14 : memref<!tpu.dma_semaphore, #tpu.memory_space<semaphore_mem>>)
    %multiple_of3A_26 = arith.constant 400 : i32
    %multiple_of3A_27 = tpu.assume_multiple %multiple_of3A_26, 8 : i32
    %dma_start3A_28 = tpu.memref_slice %arg5[%multiple_of3A_27] : memref<10000xi32, #tpu.memory_space<vmem>> -> memref<200xi32, #tpu.memory_space<vmem>>
    %dma_start3A_29 = arith.constant 0 : i32
    %dma_start3A_30 = arith.constant 0 : i32
    %dma_start3A_31 = tpu.memref_slice %arg2[%dma_start3A_29, %dma_start3A_30] : memref<10000x128xf32, #tpu.memory_space<hbm>> -> memref<10000x128xf32, #tpu.memory_space<hbm>>
    tpu.enqueue_indirect_dma source(%dma_start3A_31 : memref<10000x128xf32, #tpu.memory_space<hbm>>) target(%arg8 : memref<200x128xf32, #tpu.memory_space<vmem>>) offsets(%dma_start3A_28 : memref<200xi32, #tpu.memory_space<vmem>>) semaphore(%arg12 : memref<!tpu.dma_semaphore, #tpu.memory_space<semaphore_mem>>)
    %dma_wait3A_32 = arith.constant 0 : i32
    %dma_wait3A_33 = arith.constant 0 : i32
    %dma_wait3A_34 = tpu.memref_slice %arg2[%dma_wait3A_32, %dma_wait3A_33] : memref<10000x128xf32, #tpu.memory_space<hbm>> -> memref<200x128xf32, #tpu.memory_space<hbm>>
    %dma_wait3A_35 = arith.constant 0 : i32
    %dma_wait3A_36 = arith.constant 0 : i32
    %dma_wait3A_37 = tpu.memref_slice %arg2[%dma_wait3A_35, %dma_wait3A_36] : memref<10000x128xf32, #tpu.memory_space<hbm>> -> memref<200x128xf32, #tpu.memory_space<hbm>>
    tpu.wait_dma2 semaphore(%arg11 : memref<!tpu.dma_semaphore, #tpu.memory_space<semaphore_mem>>) src(%dma_wait3A_37 : memref<200x128xf32, #tpu.memory_space<hbm>>) dst(%arg7 : memref<200x128xf32, #tpu.memory_space<vmem>>)
    %add3A_38 = arith.constant 200 : i32
    %add3A_39 = arith.addi %multiple_of3A, %add3A_38 : i32
    %multiple_of3A_40 = tpu.assume_multiple %add3A_39, 8 : i32
    %dma_start3A_41 = arith.constant 0 : i32
    %dma_start3A_42 = tpu.memref_slice %arg4[%multiple_of3A_40, %dma_start3A_41] : memref<320000x128xf32, #tpu.memory_space<hbm>> -> memref<200x128xf32, #tpu.memory_space<hbm>>
    %dma_start3A_43 = arith.constant 0 : i32
    %dma_start3A_44 = tpu.memref_slice %arg4[%multiple_of3A_40, %dma_start3A_43] : memref<320000x128xf32, #tpu.memory_space<hbm>> -> memref<200x128xf32, #tpu.memory_space<hbm>>
    tpu.enqueue_dma source(%arg7 : memref<200x128xf32, #tpu.memory_space<vmem>>) target(%dma_start3A_44 : memref<200x128xf32, #tpu.memory_space<hbm>>) target_semaphore(%arg15 : memref<!tpu.dma_semaphore, #tpu.memory_space<semaphore_mem>>)
    %multiple_of3A_45 = arith.constant 600 : i32
    %multiple_of3A_46 = tpu.assume_multiple %multiple_of3A_45, 8 : i32
    %dma_start3A_47 = tpu.memref_slice %arg5[%multiple_of3A_46] : memref<10000xi32, #tpu.memory_space<vmem>> -> memref<200xi32, #tpu.memory_space<vmem>>
    %dma_start3A_48 = arith.constant 0 : i32
    %dma_start3A_49 = arith.constant 0 : i32
    %dma_start3A_50 = tpu.memref_slice %arg2[%dma_start3A_48, %dma_start3A_49] : memref<10000x128xf32, #tpu.memory_space<hbm>> -> memref<10000x128xf32, #tpu.memory_space<hbm>>
    tpu.enqueue_indirect_dma source(%dma_start3A_50 : memref<10000x128xf32, #tpu.memory_space<hbm>>) target(%arg9 : memref<200x128xf32, #tpu.memory_space<vmem>>) offsets(%dma_start3A_47 : memref<200xi32, #tpu.memory_space<vmem>>) semaphore(%arg13 : memref<!tpu.dma_semaphore, #tpu.memory_space<semaphore_mem>>)
    %dma_wait3A_51 = arith.constant 0 : i32
    %dma_wait3A_52 = arith.constant 0 : i32
    %dma_wait3A_53 = tpu.memref_slice %arg2[%dma_wait3A_51, %dma_wait3A_52] : memref<10000x128xf32, #tpu.memory_space<hbm>> -> memref<200x128xf32, #tpu.memory_space<hbm>>
    %dma_wait3A_54 = arith.constant 0 : i32
    %dma_wait3A_55 = arith.constant 0 : i32
    %dma_wait3A_56 = tpu.memref_slice %arg2[%dma_wait3A_54, %dma_wait3A_55] : memref<10000x128xf32, #tpu.memory_space<hbm>> -> memref<200x128xf32, #tpu.memory_space<hbm>>
    tpu.wait_dma2 semaphore(%arg12 : memref<!tpu.dma_semaphore, #tpu.memory_space<semaphore_mem>>) src(%dma_wait3A_56 : memref<200x128xf32, #tpu.memory_space<hbm>>) dst(%arg8 : memref<200x128xf32, #tpu.memory_space<vmem>>)
    %add3A_57 = arith.constant 400 : i32
    %add3A_58 = arith.addi %multiple_of3A, %add3A_57 : i32
    %multiple_of3A_59 = tpu.assume_multiple %add3A_58, 8 : i32
    %dma_start3A_60 = arith.constant 0 : i32
    %dma_start3A_61 = tpu.memref_slice %arg4[%multiple_of3A_59, %dma_start3A_60] : memref<320000x128xf32, #tpu.memory_space<hbm>> -> memref<200x128xf32, #tpu.memory_space<hbm>>
    %dma_start3A_62 = arith.constant 0 : i32
    %dma_start3A_63 = tpu.memref_slice %arg4[%multiple_of3A_59, %dma_start3A_62] : memref<320000x128xf32, #tpu.memory_space<hbm>> -> memref<200x128xf32, #tpu.memory_space<hbm>>
    tpu.enqueue_dma source(%arg8 : memref<200x128xf32, #tpu.memory_space<vmem>>) target(%dma_start3A_63 : memref<200x128xf32, #tpu.memory_space<hbm>>) target_semaphore(%arg16 : memref<!tpu.dma_semaphore, #tpu.memory_space<semaphore_mem>>)
    %dma_wait3A_64 = arith.constant 0 : i32
    %dma_wait3A_65 = tpu.memref_slice %arg4[%multiple_of3A, %dma_wait3A_64] : memref<320000x128xf32, #tpu.memory_space<hbm>> -> memref<200x128xf32, #tpu.memory_space<hbm>>
    %dma_wait3A_66 = arith.constant 0 : i32
    %dma_wait3A_67 = tpu.memref_slice %arg4[%multiple_of3A, %dma_wait3A_66] : memref<320000x128xf32, #tpu.memory_space<hbm>> -> memref<200x128xf32, #tpu.memory_space<hbm>>
    tpu.wait_dma2 semaphore(%arg14 : memref<!tpu.dma_semaphore, #tpu.memory_space<semaphore_mem>>) src(%dma_wait3A_67 : memref<200x128xf32, #tpu.memory_space<hbm>>) dst(%arg6 : memref<200x128xf32, #tpu.memory_space<vmem>>)
    %multiple_of3A_68 = arith.constant 800 : i32
    %multiple_of3A_69 = tpu.assume_multiple %multiple_of3A_68, 8 : i32
    %dma_start3A_70 = tpu.memref_slice %arg5[%multiple_of3A_69] : memref<10000xi32, #tpu.memory_space<vmem>> -> memref<200xi32, #tpu.memory_space<vmem>>
    %dma_start3A_71 = arith.constant 0 : i32
    %dma_start3A_72 = arith.constant 0 : i32
    %dma_start3A_73 = tpu.memref_slice %arg2[%dma_start3A_71, %dma_start3A_72] : memref<10000x128xf32, #tpu.memory_space<hbm>> -> memref<10000x128xf32, #tpu.memory_space<hbm>>
    tpu.enqueue_indirect_dma source(%dma_start3A_73 : memref<10000x128xf32, #tpu.memory_space<hbm>>) target(%arg6 : memref<200x128xf32, #tpu.memory_space<vmem>>) offsets(%dma_start3A_70 : memref<200xi32, #tpu.memory_space<vmem>>) semaphore(%arg10 : memref<!tpu.dma_semaphore, #tpu.memory_space<semaphore_mem>>)
    %dma_wait3A_74 = arith.constant 0 : i32
    %dma_wait3A_75 = arith.constant 0 : i32
    %dma_wait3A_76 = tpu.memref_slice %arg2[%dma_wait3A_74, %dma_wait3A_75] : memref<10000x128xf32, #tpu.memory_space<hbm>> -> memref<200x128xf32, #tpu.memory_space<hbm>>
    %dma_wait3A_77 = arith.constant 0 : i32
    %dma_wait3A_78 = arith.constant 0 : i32
    %dma_wait3A_79 = tpu.memref_slice %arg2[%dma_wait3A_77, %dma_wait3A_78] : memref<10000x128xf32, #tpu.memory_space<hbm>> -> memref<200x128xf32, #tpu.memory_space<hbm>>
    tpu.wait_dma2 semaphore(%arg13 : memref<!tpu.dma_semaphore, #tpu.memory_space<semaphore_mem>>) src(%dma_wait3A_79 : memref<200x128xf32, #tpu.memory_space<hbm>>) dst(%arg9 : memref<200x128xf32, #tpu.memory_space<vmem>>)
    %add3A_80 = arith.constant 600 : i32
    %add3A_81 = arith.addi %multiple_of3A, %add3A_80 : i32
    %multiple_of3A_82 = tpu.assume_multiple %add3A_81, 8 : i32
    %dma_start3A_83 = arith.constant 0 : i32
    %dma_start3A_84 = tpu.memref_slice %arg4[%multiple_of3A_82, %dma_start3A_83] : memref<320000x128xf32, #tpu.memory_space<hbm>> -> memref<200x128xf32, #tpu.memory_space<hbm>>
    %dma_start3A_85 = arith.constant 0 : i32
    %dma_start3A_86 = tpu.memref_slice %arg4[%multiple_of3A_82, %dma_start3A_85] : memref<320000x128xf32, #tpu.memory_space<hbm>> -> memref<200x128xf32, #tpu.memory_space<hbm>>
    tpu.enqueue_dma source(%arg9 : memref<200x128xf32, #tpu.memory_space<vmem>>) target(%dma_start3A_86 : memref<200x128xf32, #tpu.memory_space<hbm>>) target_semaphore(%arg17 : memref<!tpu.dma_semaphore, #tpu.memory_space<semaphore_mem>>)
    %dma_wait3A_87 = arith.constant 0 : i32
    %dma_wait3A_88 = tpu.memref_slice %arg4[%multiple_of3A, %dma_wait3A_87] : memref<320000x128xf32, #tpu.memory_space<hbm>> -> memref<200x128xf32, #tpu.memory_space<hbm>>
    %dma_wait3A_89 = arith.constant 0 : i32
    %dma_wait3A_90 = tpu.memref_slice %arg4[%multiple_of3A, %dma_wait3A_89] : memref<320000x128xf32, #tpu.memory_space<hbm>> -> memref<200x128xf32, #tpu.memory_space<hbm>>
    tpu.wait_dma2 semaphore(%arg15 : memref<!tpu.dma_semaphore, #tpu.memory_space<semaphore_mem>>) src(%dma_wait3A_90 : memref<200x128xf32, #tpu.memory_space<hbm>>) dst(%arg7 : memref<200x128xf32, #tpu.memory_space<vmem>>)
    %multiple_of3A_91 = arith.constant 1000 : i32
    %multiple_of3A_92 = tpu.assume_multiple %multiple_of3A_91, 8 : i32
    %dma_start3A_93 = tpu.memref_slice %arg5[%multiple_of3A_92] : memref<10000xi32, #tpu.memory_space<vmem>> -> memref<200xi32, #tpu.memory_space<vmem>>
    %dma_start3A_94 = arith.constant 0 : i32
    %dma_start3A_95 = arith.constant 0 : i32
    %dma_start3A_96 = tpu.memref_slice %arg2[%dma_start3A_94, %dma_start3A_95] : memref<10000x128xf32, #tpu.memory_space<hbm>> -> memref<10000x128xf32, #tpu.memory_space<hbm>>
    tpu.enqueue_indirect_dma source(%dma_start3A_96 : memref<10000x128xf32, #tpu.memory_space<hbm>>) target(%arg7 : memref<200x128xf32, #tpu.memory_space<vmem>>) offsets(%dma_start3A_93 : memref<200xi32, #tpu.memory_space<vmem>>) semaphore(%arg11 : memref<!tpu.dma_semaphore, #tpu.memory_space<semaphore_mem>>)
    %scan3A = arith.constant 0 : i32
    %scan3A_97 = arith.constant 1 : i32
    %scan3A_98 = arith.constant 11 : i32
    %scan3A_99 = arith.addi %scan3A_97, %scan3A_98 : i32
    %scan3A_100 = arith.constant 1 : i32
    scf.for %scan3A_144 = %scan3A_97 to %scan3A_99 step %scan3A_100  : i32 {
      %mul3A_145 = arith.constant 4 : i32
      %mul3A_146 = arith.muli %scan3A_144, %mul3A_145 : i32
      %add3A_147 = arith.constant 0 : i32
      %add3A_148 = arith.addi %mul3A_146, %add3A_147 : i32
      %dma_wait3A_149 = arith.constant 0 : i32
      %dma_wait3A_150 = arith.constant 0 : i32
      %dma_wait3A_151 = tpu.memref_slice %arg2[%dma_wait3A_149, %dma_wait3A_150] : memref<10000x128xf32, #tpu.memory_space<hbm>> -> memref<200x128xf32, #tpu.memory_space<hbm>>
      %dma_wait3A_152 = arith.constant 0 : i32
      %dma_wait3A_153 = arith.constant 0 : i32
      %dma_wait3A_154 = tpu.memref_slice %arg2[%dma_wait3A_152, %dma_wait3A_153] : memref<10000x128xf32, #tpu.memory_space<hbm>> -> memref<200x128xf32, #tpu.memory_space<hbm>>
      tpu.wait_dma2 semaphore(%arg10 : memref<!tpu.dma_semaphore, #tpu.memory_space<semaphore_mem>>) src(%dma_wait3A_154 : memref<200x128xf32, #tpu.memory_space<hbm>>) dst(%arg6 : memref<200x128xf32, #tpu.memory_space<vmem>>)
      %mul3A_155 = arith.constant 200 : i32
      %mul3A_156 = arith.muli %add3A_148, %mul3A_155 : i32
      %add3A_157 = arith.addi %multiple_of3A, %mul3A_156 : i32
      %multiple_of3A_158 = tpu.assume_multiple %add3A_157, 8 : i32
      %dma_start3A_159 = arith.constant 0 : i32
      %dma_start3A_160 = tpu.memref_slice %arg4[%multiple_of3A_158, %dma_start3A_159] : memref<320000x128xf32, #tpu.memory_space<hbm>> -> memref<200x128xf32, #tpu.memory_space<hbm>>
      %dma_start3A_161 = arith.constant 0 : i32
      %dma_start3A_162 = tpu.memref_slice %arg4[%multiple_of3A_158, %dma_start3A_161] : memref<320000x128xf32, #tpu.memory_space<hbm>> -> memref<200x128xf32, #tpu.memory_space<hbm>>
      tpu.enqueue_dma source(%arg6 : memref<200x128xf32, #tpu.memory_space<vmem>>) target(%dma_start3A_162 : memref<200x128xf32, #tpu.memory_space<hbm>>) target_semaphore(%arg14 : memref<!tpu.dma_semaphore, #tpu.memory_space<semaphore_mem>>)
      %dma_wait3A_163 = arith.constant 0 : i32
      %dma_wait3A_164 = tpu.memref_slice %arg4[%multiple_of3A, %dma_wait3A_163] : memref<320000x128xf32, #tpu.memory_space<hbm>> -> memref<200x128xf32, #tpu.memory_space<hbm>>
      %dma_wait3A_165 = arith.constant 0 : i32
      %dma_wait3A_166 = tpu.memref_slice %arg4[%multiple_of3A, %dma_wait3A_165] : memref<320000x128xf32, #tpu.memory_space<hbm>> -> memref<200x128xf32, #tpu.memory_space<hbm>>
      tpu.wait_dma2 semaphore(%arg16 : memref<!tpu.dma_semaphore, #tpu.memory_space<semaphore_mem>>) src(%dma_wait3A_166 : memref<200x128xf32, #tpu.memory_space<hbm>>) dst(%arg8 : memref<200x128xf32, #tpu.memory_space<vmem>>)
      %add3A_167 = arith.constant 2 : i32
      %add3A_168 = arith.addi %add3A_148, %add3A_167 : i32
      %mul3A_169 = arith.constant 200 : i32
      %mul3A_170 = arith.muli %add3A_168, %mul3A_169 : i32
      %multiple_of3A_171 = tpu.assume_multiple %mul3A_170, 8 : i32
      %dma_start3A_172 = tpu.memref_slice %arg5[%multiple_of3A_171] : memref<10000xi32, #tpu.memory_space<vmem>> -> memref<200xi32, #tpu.memory_space<vmem>>
      %dma_start3A_173 = arith.constant 0 : i32
      %dma_start3A_174 = arith.constant 0 : i32
      %dma_start3A_175 = tpu.memref_slice %arg2[%dma_start3A_173, %dma_start3A_174] : memref<10000x128xf32, #tpu.memory_space<hbm>> -> memref<10000x128xf32, #tpu.memory_space<hbm>>
      tpu.enqueue_indirect_dma source(%dma_start3A_175 : memref<10000x128xf32, #tpu.memory_space<hbm>>) target(%arg8 : memref<200x128xf32, #tpu.memory_space<vmem>>) offsets(%dma_start3A_172 : memref<200xi32, #tpu.memory_space<vmem>>) semaphore(%arg12 : memref<!tpu.dma_semaphore, #tpu.memory_space<semaphore_mem>>)
      %mul3A_176 = arith.constant 4 : i32
      %mul3A_177 = arith.muli %scan3A_144, %mul3A_176 : i32
      %add3A_178 = arith.constant 1 : i32
      %add3A_179 = arith.addi %mul3A_177, %add3A_178 : i32
      %dma_wait3A_180 = arith.constant 0 : i32
      %dma_wait3A_181 = arith.constant 0 : i32
      %dma_wait3A_182 = tpu.memref_slice %arg2[%dma_wait3A_180, %dma_wait3A_181] : memref<10000x128xf32, #tpu.memory_space<hbm>> -> memref<200x128xf32, #tpu.memory_space<hbm>>
      %dma_wait3A_183 = arith.constant 0 : i32
      %dma_wait3A_184 = arith.constant 0 : i32
      %dma_wait3A_185 = tpu.memref_slice %arg2[%dma_wait3A_183, %dma_wait3A_184] : memref<10000x128xf32, #tpu.memory_space<hbm>> -> memref<200x128xf32, #tpu.memory_space<hbm>>
      tpu.wait_dma2 semaphore(%arg11 : memref<!tpu.dma_semaphore, #tpu.memory_space<semaphore_mem>>) src(%dma_wait3A_185 : memref<200x128xf32, #tpu.memory_space<hbm>>) dst(%arg7 : memref<200x128xf32, #tpu.memory_space<vmem>>)
      %mul3A_186 = arith.constant 200 : i32
      %mul3A_187 = arith.muli %add3A_179, %mul3A_186 : i32
      %add3A_188 = arith.addi %multiple_of3A, %mul3A_187 : i32
      %multiple_of3A_189 = tpu.assume_multiple %add3A_188, 8 : i32
      %dma_start3A_190 = arith.constant 0 : i32
      %dma_start3A_191 = tpu.memref_slice %arg4[%multiple_of3A_189, %dma_start3A_190] : memref<320000x128xf32, #tpu.memory_space<hbm>> -> memref<200x128xf32, #tpu.memory_space<hbm>>
      %dma_start3A_192 = arith.constant 0 : i32
      %dma_start3A_193 = tpu.memref_slice %arg4[%multiple_of3A_189, %dma_start3A_192] : memref<320000x128xf32, #tpu.memory_space<hbm>> -> memref<200x128xf32, #tpu.memory_space<hbm>>
      tpu.enqueue_dma source(%arg7 : memref<200x128xf32, #tpu.memory_space<vmem>>) target(%dma_start3A_193 : memref<200x128xf32, #tpu.memory_space<hbm>>) target_semaphore(%arg15 : memref<!tpu.dma_semaphore, #tpu.memory_space<semaphore_mem>>)
      %dma_wait3A_194 = arith.constant 0 : i32
      %dma_wait3A_195 = tpu.memref_slice %arg4[%multiple_of3A, %dma_wait3A_194] : memref<320000x128xf32, #tpu.memory_space<hbm>> -> memref<200x128xf32, #tpu.memory_space<hbm>>
      %dma_wait3A_196 = arith.constant 0 : i32
      %dma_wait3A_197 = tpu.memref_slice %arg4[%multiple_of3A, %dma_wait3A_196] : memref<320000x128xf32, #tpu.memory_space<hbm>> -> memref<200x128xf32, #tpu.memory_space<hbm>>
      tpu.wait_dma2 semaphore(%arg17 : memref<!tpu.dma_semaphore, #tpu.memory_space<semaphore_mem>>) src(%dma_wait3A_197 : memref<200x128xf32, #tpu.memory_space<hbm>>) dst(%arg9 : memref<200x128xf32, #tpu.memory_space<vmem>>)
      %add3A_198 = arith.constant 2 : i32
      %add3A_199 = arith.addi %add3A_179, %add3A_198 : i32
      %mul3A_200 = arith.constant 200 : i32
      %mul3A_201 = arith.muli %add3A_199, %mul3A_200 : i32
      %multiple_of3A_202 = tpu.assume_multiple %mul3A_201, 8 : i32
      %dma_start3A_203 = tpu.memref_slice %arg5[%multiple_of3A_202] : memref<10000xi32, #tpu.memory_space<vmem>> -> memref<200xi32, #tpu.memory_space<vmem>>
      %dma_start3A_204 = arith.constant 0 : i32
      %dma_start3A_205 = arith.constant 0 : i32
      %dma_start3A_206 = tpu.memref_slice %arg2[%dma_start3A_204, %dma_start3A_205] : memref<10000x128xf32, #tpu.memory_space<hbm>> -> memref<10000x128xf32, #tpu.memory_space<hbm>>
      tpu.enqueue_indirect_dma source(%dma_start3A_206 : memref<10000x128xf32, #tpu.memory_space<hbm>>) target(%arg9 : memref<200x128xf32, #tpu.memory_space<vmem>>) offsets(%dma_start3A_203 : memref<200xi32, #tpu.memory_space<vmem>>) semaphore(%arg13 : memref<!tpu.dma_semaphore, #tpu.memory_space<semaphore_mem>>)
      %mul3A_207 = arith.constant 4 : i32
      %mul3A_208 = arith.muli %scan3A_144, %mul3A_207 : i32
      %add3A_209 = arith.constant 2 : i32
      %add3A_210 = arith.addi %mul3A_208, %add3A_209 : i32
      %dma_wait3A_211 = arith.constant 0 : i32
      %dma_wait3A_212 = arith.constant 0 : i32
      %dma_wait3A_213 = tpu.memref_slice %arg2[%dma_wait3A_211, %dma_wait3A_212] : memref<10000x128xf32, #tpu.memory_space<hbm>> -> memref<200x128xf32, #tpu.memory_space<hbm>>
      %dma_wait3A_214 = arith.constant 0 : i32
      %dma_wait3A_215 = arith.constant 0 : i32
      %dma_wait3A_216 = tpu.memref_slice %arg2[%dma_wait3A_214, %dma_wait3A_215] : memref<10000x128xf32, #tpu.memory_space<hbm>> -> memref<200x128xf32, #tpu.memory_space<hbm>>
      tpu.wait_dma2 semaphore(%arg12 : memref<!tpu.dma_semaphore, #tpu.memory_space<semaphore_mem>>) src(%dma_wait3A_216 : memref<200x128xf32, #tpu.memory_space<hbm>>) dst(%arg8 : memref<200x128xf32, #tpu.memory_space<vmem>>)
      %mul3A_217 = arith.constant 200 : i32
      %mul3A_218 = arith.muli %add3A_210, %mul3A_217 : i32
      %add3A_219 = arith.addi %multiple_of3A, %mul3A_218 : i32
      %multiple_of3A_220 = tpu.assume_multiple %add3A_219, 8 : i32
      %dma_start3A_221 = arith.constant 0 : i32
      %dma_start3A_222 = tpu.memref_slice %arg4[%multiple_of3A_220, %dma_start3A_221] : memref<320000x128xf32, #tpu.memory_space<hbm>> -> memref<200x128xf32, #tpu.memory_space<hbm>>
      %dma_start3A_223 = arith.constant 0 : i32
      %dma_start3A_224 = tpu.memref_slice %arg4[%multiple_of3A_220, %dma_start3A_223] : memref<320000x128xf32, #tpu.memory_space<hbm>> -> memref<200x128xf32, #tpu.memory_space<hbm>>
      tpu.enqueue_dma source(%arg8 : memref<200x128xf32, #tpu.memory_space<vmem>>) target(%dma_start3A_224 : memref<200x128xf32, #tpu.memory_space<hbm>>) target_semaphore(%arg16 : memref<!tpu.dma_semaphore, #tpu.memory_space<semaphore_mem>>)
      %dma_wait3A_225 = arith.constant 0 : i32
      %dma_wait3A_226 = tpu.memref_slice %arg4[%multiple_of3A, %dma_wait3A_225] : memref<320000x128xf32, #tpu.memory_space<hbm>> -> memref<200x128xf32, #tpu.memory_space<hbm>>
      %dma_wait3A_227 = arith.constant 0 : i32
      %dma_wait3A_228 = tpu.memref_slice %arg4[%multiple_of3A, %dma_wait3A_227] : memref<320000x128xf32, #tpu.memory_space<hbm>> -> memref<200x128xf32, #tpu.memory_space<hbm>>
      tpu.wait_dma2 semaphore(%arg14 : memref<!tpu.dma_semaphore, #tpu.memory_space<semaphore_mem>>) src(%dma_wait3A_228 : memref<200x128xf32, #tpu.memory_space<hbm>>) dst(%arg6 : memref<200x128xf32, #tpu.memory_space<vmem>>)
      %add3A_229 = arith.constant 2 : i32
      %add3A_230 = arith.addi %add3A_210, %add3A_229 : i32
      %mul3A_231 = arith.constant 200 : i32
      %mul3A_232 = arith.muli %add3A_230, %mul3A_231 : i32
      %multiple_of3A_233 = tpu.assume_multiple %mul3A_232, 8 : i32
      %dma_start3A_234 = tpu.memref_slice %arg5[%multiple_of3A_233] : memref<10000xi32, #tpu.memory_space<vmem>> -> memref<200xi32, #tpu.memory_space<vmem>>
      %dma_start3A_235 = arith.constant 0 : i32
      %dma_start3A_236 = arith.constant 0 : i32
      %dma_start3A_237 = tpu.memref_slice %arg2[%dma_start3A_235, %dma_start3A_236] : memref<10000x128xf32, #tpu.memory_space<hbm>> -> memref<10000x128xf32, #tpu.memory_space<hbm>>
      tpu.enqueue_indirect_dma source(%dma_start3A_237 : memref<10000x128xf32, #tpu.memory_space<hbm>>) target(%arg6 : memref<200x128xf32, #tpu.memory_space<vmem>>) offsets(%dma_start3A_234 : memref<200xi32, #tpu.memory_space<vmem>>) semaphore(%arg10 : memref<!tpu.dma_semaphore, #tpu.memory_space<semaphore_mem>>)
      %mul3A_238 = arith.constant 4 : i32
      %mul3A_239 = arith.muli %scan3A_144, %mul3A_238 : i32
      %add3A_240 = arith.constant 3 : i32
      %add3A_241 = arith.addi %mul3A_239, %add3A_240 : i32
      %dma_wait3A_242 = arith.constant 0 : i32
      %dma_wait3A_243 = arith.constant 0 : i32
      %dma_wait3A_244 = tpu.memref_slice %arg2[%dma_wait3A_242, %dma_wait3A_243] : memref<10000x128xf32, #tpu.memory_space<hbm>> -> memref<200x128xf32, #tpu.memory_space<hbm>>
      %dma_wait3A_245 = arith.constant 0 : i32
      %dma_wait3A_246 = arith.constant 0 : i32
      %dma_wait3A_247 = tpu.memref_slice %arg2[%dma_wait3A_245, %dma_wait3A_246] : memref<10000x128xf32, #tpu.memory_space<hbm>> -> memref<200x128xf32, #tpu.memory_space<hbm>>
      tpu.wait_dma2 semaphore(%arg13 : memref<!tpu.dma_semaphore, #tpu.memory_space<semaphore_mem>>) src(%dma_wait3A_247 : memref<200x128xf32, #tpu.memory_space<hbm>>) dst(%arg9 : memref<200x128xf32, #tpu.memory_space<vmem>>)
      %mul3A_248 = arith.constant 200 : i32
      %mul3A_249 = arith.muli %add3A_241, %mul3A_248 : i32
      %add3A_250 = arith.addi %multiple_of3A, %mul3A_249 : i32
      %multiple_of3A_251 = tpu.assume_multiple %add3A_250, 8 : i32
      %dma_start3A_252 = arith.constant 0 : i32
      %dma_start3A_253 = tpu.memref_slice %arg4[%multiple_of3A_251, %dma_start3A_252] : memref<320000x128xf32, #tpu.memory_space<hbm>> -> memref<200x128xf32, #tpu.memory_space<hbm>>
      %dma_start3A_254 = arith.constant 0 : i32
      %dma_start3A_255 = tpu.memref_slice %arg4[%multiple_of3A_251, %dma_start3A_254] : memref<320000x128xf32, #tpu.memory_space<hbm>> -> memref<200x128xf32, #tpu.memory_space<hbm>>
      tpu.enqueue_dma source(%arg9 : memref<200x128xf32, #tpu.memory_space<vmem>>) target(%dma_start3A_255 : memref<200x128xf32, #tpu.memory_space<hbm>>) target_semaphore(%arg17 : memref<!tpu.dma_semaphore, #tpu.memory_space<semaphore_mem>>)
      %dma_wait3A_256 = arith.constant 0 : i32
      %dma_wait3A_257 = tpu.memref_slice %arg4[%multiple_of3A, %dma_wait3A_256] : memref<320000x128xf32, #tpu.memory_space<hbm>> -> memref<200x128xf32, #tpu.memory_space<hbm>>
      %dma_wait3A_258 = arith.constant 0 : i32
      %dma_wait3A_259 = tpu.memref_slice %arg4[%multiple_of3A, %dma_wait3A_258] : memref<320000x128xf32, #tpu.memory_space<hbm>> -> memref<200x128xf32, #tpu.memory_space<hbm>>
      tpu.wait_dma2 semaphore(%arg15 : memref<!tpu.dma_semaphore, #tpu.memory_space<semaphore_mem>>) src(%dma_wait3A_259 : memref<200x128xf32, #tpu.memory_space<hbm>>) dst(%arg7 : memref<200x128xf32, #tpu.memory_space<vmem>>)
      %add3A_260 = arith.constant 2 : i32
      %add3A_261 = arith.addi %add3A_241, %add3A_260 : i32
      %mul3A_262 = arith.constant 200 : i32
      %mul3A_263 = arith.muli %add3A_261, %mul3A_262 : i32
      %multiple_of3A_264 = tpu.assume_multiple %mul3A_263, 8 : i32
      %dma_start3A_265 = tpu.memref_slice %arg5[%multiple_of3A_264] : memref<10000xi32, #tpu.memory_space<vmem>> -> memref<200xi32, #tpu.memory_space<vmem>>
      %dma_start3A_266 = arith.constant 0 : i32
      %dma_start3A_267 = arith.constant 0 : i32
      %dma_start3A_268 = tpu.memref_slice %arg2[%dma_start3A_266, %dma_start3A_267] : memref<10000x128xf32, #tpu.memory_space<hbm>> -> memref<10000x128xf32, #tpu.memory_space<hbm>>
      tpu.enqueue_indirect_dma source(%dma_start3A_268 : memref<10000x128xf32, #tpu.memory_space<hbm>>) target(%arg7 : memref<200x128xf32, #tpu.memory_space<vmem>>) offsets(%dma_start3A_265 : memref<200xi32, #tpu.memory_space<vmem>>) semaphore(%arg11 : memref<!tpu.dma_semaphore, #tpu.memory_space<semaphore_mem>>)
    }
    %scan3A_101 = arith.constant 11 : i32
    %dma_wait3A_102 = arith.constant 0 : i32
    %dma_wait3A_103 = arith.constant 0 : i32
    %dma_wait3A_104 = tpu.memref_slice %arg2[%dma_wait3A_102, %dma_wait3A_103] : memref<10000x128xf32, #tpu.memory_space<hbm>> -> memref<200x128xf32, #tpu.memory_space<hbm>>
    %dma_wait3A_105 = arith.constant 0 : i32
    %dma_wait3A_106 = arith.constant 0 : i32
    %dma_wait3A_107 = tpu.memref_slice %arg2[%dma_wait3A_105, %dma_wait3A_106] : memref<10000x128xf32, #tpu.memory_space<hbm>> -> memref<200x128xf32, #tpu.memory_space<hbm>>
    tpu.wait_dma2 semaphore(%arg10 : memref<!tpu.dma_semaphore, #tpu.memory_space<semaphore_mem>>) src(%dma_wait3A_107 : memref<200x128xf32, #tpu.memory_space<hbm>>) dst(%arg6 : memref<200x128xf32, #tpu.memory_space<vmem>>)
    %add3A_108 = arith.constant 9600 : i32
    %add3A_109 = arith.addi %multiple_of3A, %add3A_108 : i32
    %multiple_of3A_110 = tpu.assume_multiple %add3A_109, 8 : i32
    %dma_start3A_111 = arith.constant 0 : i32
    %dma_start3A_112 = tpu.memref_slice %arg4[%multiple_of3A_110, %dma_start3A_111] : memref<320000x128xf32, #tpu.memory_space<hbm>> -> memref<200x128xf32, #tpu.memory_space<hbm>>
    %dma_start3A_113 = arith.constant 0 : i32
    %dma_start3A_114 = tpu.memref_slice %arg4[%multiple_of3A_110, %dma_start3A_113] : memref<320000x128xf32, #tpu.memory_space<hbm>> -> memref<200x128xf32, #tpu.memory_space<hbm>>
    tpu.enqueue_dma source(%arg6 : memref<200x128xf32, #tpu.memory_space<vmem>>) target(%dma_start3A_114 : memref<200x128xf32, #tpu.memory_space<hbm>>) target_semaphore(%arg14 : memref<!tpu.dma_semaphore, #tpu.memory_space<semaphore_mem>>)
    %dma_wait3A_115 = arith.constant 0 : i32
    %dma_wait3A_116 = arith.constant 0 : i32
    %dma_wait3A_117 = tpu.memref_slice %arg2[%dma_wait3A_115, %dma_wait3A_116] : memref<10000x128xf32, #tpu.memory_space<hbm>> -> memref<200x128xf32, #tpu.memory_space<hbm>>
    %dma_wait3A_118 = arith.constant 0 : i32
    %dma_wait3A_119 = arith.constant 0 : i32
    %dma_wait3A_120 = tpu.memref_slice %arg2[%dma_wait3A_118, %dma_wait3A_119] : memref<10000x128xf32, #tpu.memory_space<hbm>> -> memref<200x128xf32, #tpu.memory_space<hbm>>
    tpu.wait_dma2 semaphore(%arg11 : memref<!tpu.dma_semaphore, #tpu.memory_space<semaphore_mem>>) src(%dma_wait3A_120 : memref<200x128xf32, #tpu.memory_space<hbm>>) dst(%arg7 : memref<200x128xf32, #tpu.memory_space<vmem>>)
    %add3A_121 = arith.constant 9800 : i32
    %add3A_122 = arith.addi %multiple_of3A, %add3A_121 : i32
    %multiple_of3A_123 = tpu.assume_multiple %add3A_122, 8 : i32
    %dma_start3A_124 = arith.constant 0 : i32
    %dma_start3A_125 = tpu.memref_slice %arg4[%multiple_of3A_123, %dma_start3A_124] : memref<320000x128xf32, #tpu.memory_space<hbm>> -> memref<200x128xf32, #tpu.memory_space<hbm>>
    %dma_start3A_126 = arith.constant 0 : i32
    %dma_start3A_127 = tpu.memref_slice %arg4[%multiple_of3A_123, %dma_start3A_126] : memref<320000x128xf32, #tpu.memory_space<hbm>> -> memref<200x128xf32, #tpu.memory_space<hbm>>
    tpu.enqueue_dma source(%arg7 : memref<200x128xf32, #tpu.memory_space<vmem>>) target(%dma_start3A_127 : memref<200x128xf32, #tpu.memory_space<hbm>>) target_semaphore(%arg15 : memref<!tpu.dma_semaphore, #tpu.memory_space<semaphore_mem>>)
    %dma_wait3A_128 = arith.constant 0 : i32
    %dma_wait3A_129 = tpu.memref_slice %arg4[%multiple_of3A, %dma_wait3A_128] : memref<320000x128xf32, #tpu.memory_space<hbm>> -> memref<200x128xf32, #tpu.memory_space<hbm>>
    %dma_wait3A_130 = arith.constant 0 : i32
    %dma_wait3A_131 = tpu.memref_slice %arg4[%multiple_of3A, %dma_wait3A_130] : memref<320000x128xf32, #tpu.memory_space<hbm>> -> memref<200x128xf32, #tpu.memory_space<hbm>>
    tpu.wait_dma2 semaphore(%arg16 : memref<!tpu.dma_semaphore, #tpu.memory_space<semaphore_mem>>) src(%dma_wait3A_131 : memref<200x128xf32, #tpu.memory_space<hbm>>) dst(%arg8 : memref<200x128xf32, #tpu.memory_space<vmem>>)
    %dma_wait3A_132 = arith.constant 0 : i32
    %dma_wait3A_133 = tpu.memref_slice %arg4[%multiple_of3A, %dma_wait3A_132] : memref<320000x128xf32, #tpu.memory_space<hbm>> -> memref<200x128xf32, #tpu.memory_space<hbm>>
    %dma_wait3A_134 = arith.constant 0 : i32
    %dma_wait3A_135 = tpu.memref_slice %arg4[%multiple_of3A, %dma_wait3A_134] : memref<320000x128xf32, #tpu.memory_space<hbm>> -> memref<200x128xf32, #tpu.memory_space<hbm>>
    tpu.wait_dma2 semaphore(%arg17 : memref<!tpu.dma_semaphore, #tpu.memory_space<semaphore_mem>>) src(%dma_wait3A_135 : memref<200x128xf32, #tpu.memory_space<hbm>>) dst(%arg9 : memref<200x128xf32, #tpu.memory_space<vmem>>)
    %dma_wait3A_136 = arith.constant 0 : i32
    %dma_wait3A_137 = tpu.memref_slice %arg4[%multiple_of3A, %dma_wait3A_136] : memref<320000x128xf32, #tpu.memory_space<hbm>> -> memref<200x128xf32, #tpu.memory_space<hbm>>
    %dma_wait3A_138 = arith.constant 0 : i32
    %dma_wait3A_139 = tpu.memref_slice %arg4[%multiple_of3A, %dma_wait3A_138] : memref<320000x128xf32, #tpu.memory_space<hbm>> -> memref<200x128xf32, #tpu.memory_space<hbm>>
    tpu.wait_dma2 semaphore(%arg14 : memref<!tpu.dma_semaphore, #tpu.memory_space<semaphore_mem>>) src(%dma_wait3A_139 : memref<200x128xf32, #tpu.memory_space<hbm>>) dst(%arg6 : memref<200x128xf32, #tpu.memory_space<vmem>>)
    %dma_wait3A_140 = arith.constant 0 : i32
    %dma_wait3A_141 = tpu.memref_slice %arg4[%multiple_of3A, %dma_wait3A_140] : memref<320000x128xf32, #tpu.memory_space<hbm>> -> memref<200x128xf32, #tpu.memory_space<hbm>>
    %dma_wait3A_142 = arith.constant 0 : i32
    %dma_wait3A_143 = tpu.memref_slice %arg4[%multiple_of3A, %dma_wait3A_142] : memref<320000x128xf32, #tpu.memory_space<hbm>> -> memref<200x128xf32, #tpu.memory_space<hbm>>
    tpu.wait_dma2 semaphore(%arg15 : memref<!tpu.dma_semaphore, #tpu.memory_space<semaphore_mem>>) src(%dma_wait3A_143 : memref<200x128xf32, #tpu.memory_space<hbm>>) dst(%arg7 : memref<200x128xf32, #tpu.memory_space<vmem>>)
    return
  }
}

module attributes {stable_mosaic.version = 14 : i64} {
  func.func @_pass1_body(%arg0: i32, %arg1: memref<400x128xf32, #tpu.memory_space<vmem>>, %arg2: memref<12800x128xf32, #tpu.memory_space<vmem>>, %arg3: memref<400x32x16xbf16, #tpu.memory_space<vmem>>, %arg4: memref<128x256xf32, #tpu.memory_space<vmem>>, %arg5: memref<128x256xf32, #tpu.memory_space<vmem>>, %arg6: memref<16x256xf32, #tpu.memory_space<vmem>>, %arg7: memref<1x256xf32, #tpu.memory_space<vmem>>, %arg8: memref<8x256xf32, #tpu.memory_space<vmem>>) attributes {dimension_semantics = [#tpu.dimension_semantics<arbitrary>], iteration_bounds = array<i64: 25>, scalar_prefetch = 0 : i64, scratch_operands = 0 : i64, tpu.core_type = #tpu.core_type<tc>, window_params = [{transform_indices = @transform_0, window_bounds = array<i64: 400, 128>}, {transform_indices = @transform_1, window_bounds = array<i64: 12800, 128>}, {transform_indices = @transform_2, window_bounds = array<i64: 400, 32, 16>}, {pipeline_mode = #tpu.pipeline_mode<synchronous>, transform_indices = @transform_3, window_bounds = array<i64: 128, 256>}, {pipeline_mode = #tpu.pipeline_mode<synchronous>, transform_indices = @transform_4, window_bounds = array<i64: 128, 256>}, {pipeline_mode = #tpu.pipeline_mode<synchronous>, transform_indices = @transform_5, window_bounds = array<i64: 16, 256>}, {pipeline_mode = #tpu.pipeline_mode<synchronous>, transform_indices = @transform_6, window_bounds = array<i64: 1, 256>}, {pipeline_mode = #tpu.pipeline_mode<synchronous>, transform_indices = @transform_7, window_bounds = array<i64: 8, 256>}]} {
    %get3A = arith.constant 0 : index
    %get3A_0 = arith.constant 0 : index
    %get3A_1 = vector.load %arg1[%get3A, %get3A_0] : memref<400x128xf32, #tpu.memory_space<vmem>>, vector<400x128xf32>
    %get3A_2 = arith.constant 0 : index
    %get3A_3 = arith.constant 0 : index
    %get3A_4 = vector.load %arg4[%get3A_2, %get3A_3] : memref<128x256xf32, #tpu.memory_space<vmem>>, vector<128x256xf32>
    %dot_general3A = arith.constant dense<0.000000e+00> : vector<400x256xf32>
    %dot_general3A_5 = tpu.matmul %get3A_1, %get3A_4, %dot_general3A {dimension_numbers = #tpu.dot_dimension_numbers<[1], [0], [0], [1], [0, 0, 1, 1], [], []>, transpose_lhs_hint = false} : vector<400x128xf32>, vector<128x256xf32>, vector<400x256xf32> -> vector<400x256xf32>
    %get3A_6 = arith.constant 0 : index
    %get3A_7 = arith.constant 0 : index
    %get3A_8 = vector.load %arg7[%get3A_6, %get3A_7] : memref<1x256xf32, #tpu.memory_space<vmem>>, vector<1x256xf32>
    %add3A = vector.broadcast %get3A_8 : vector<1x256xf32> to vector<400x256xf32>
    %add3A_9 = arith.addf %dot_general3A_5, %add3A : vector<400x256xf32>
    %get3A_10 = arith.constant 0 : index
    %get3A_11 = arith.constant 0 : index
    %get3A_12 = vector.load %arg2[%get3A_10, %get3A_11] : memref<12800x128xf32, #tpu.memory_space<vmem>>, vector<12800x128xf32>
    %get3A_13 = arith.constant 0 : index
    %get3A_14 = arith.constant 0 : index
    %get3A_15 = vector.load %arg5[%get3A_13, %get3A_14] : memref<128x256xf32, #tpu.memory_space<vmem>>, vector<128x256xf32>
    %dot_general3A_16 = arith.constant dense<0.000000e+00> : vector<12800x256xf32>
    %dot_general3A_17 = tpu.matmul %get3A_12, %get3A_15, %dot_general3A_16 {dimension_numbers = #tpu.dot_dimension_numbers<[1], [0], [0], [1], [0, 0, 1, 1], [], []>, transpose_lhs_hint = false} : vector<12800x128xf32>, vector<128x256xf32>, vector<12800x256xf32> -> vector<12800x256xf32>
    %get3A_18 = arith.constant 0 : index
    %get3A_19 = arith.constant 0 : index
    %get3A_20 = arith.constant 0 : index
    %get3A_21 = vector.load %arg3[%get3A_18, %get3A_19, %get3A_20] : memref<400x32x16xbf16, #tpu.memory_space<vmem>>, vector<400x32x16xbf16>
    %reshape3A = vector.shape_cast %get3A_21 : vector<400x32x16xbf16> to vector<12800x16xbf16>
    %get3A_22 = arith.constant 0 : index
    %get3A_23 = arith.constant 0 : index
    %get3A_24 = vector.load %arg6[%get3A_22, %get3A_23] : memref<16x256xf32, #tpu.memory_space<vmem>>, vector<16x256xf32>
    %dot_general3A_25 = arith.constant dense<0.000000e+00> : vector<12800x256xf32>
    %dot_general3A_26 = tpu.matmul %reshape3A, %get3A_24, %dot_general3A_25 {dimension_numbers = #tpu.dot_dimension_numbers<[1], [0], [0], [1], [0, 0, 1, 1], [], []>, transpose_lhs_hint = false} : vector<12800x16xbf16>, vector<16x256xf32>, vector<12800x256xf32> -> vector<12800x256xf32>
    %add3A_27 = arith.addf %dot_general3A_17, %dot_general3A_26 : vector<12800x256xf32>
    %reshape3A_28 = vector.shape_cast %add3A_27 : vector<12800x256xf32> to vector<400x32x256xf32>
    %broadcast_in_dim3A = vector.shape_cast %add3A_9 : vector<400x256xf32> to vector<400x1x256xf32>
    %add3A_29 = vector.broadcast %broadcast_in_dim3A : vector<400x1x256xf32> to vector<400x32x256xf32>
    %add3A_30 = arith.addf %reshape3A_28, %add3A_29 : vector<400x32x256xf32>
    %reduce_sum3A = arith.constant dense<0.000000e+00> : vector<256xf32>
    %reduce_sum3A_31 = vector.multi_reduction <add>, %add3A_30, %reduce_sum3A [0, 1] : vector<400x32x256xf32> to vector<256xf32>
    %mul3A = arith.mulf %add3A_30, %add3A_30 : vector<400x32x256xf32>
    %reduce_sum3A_32 = arith.constant dense<0.000000e+00> : vector<256xf32>
    %reduce_sum3A_33 = vector.multi_reduction <add>, %mul3A, %reduce_sum3A_32 [0, 1] : vector<400x32x256xf32> to vector<256xf32>
    %eq3A = arith.constant 0 : i32
    %eq3A_34 = arith.cmpi eq, %arg0, %eq3A : i32
    %convert_element_type3A = arith.extui %eq3A_34 : i1 to i32
    %cond3A = arith.constant 0 : i32
    %cond3A_35 = arith.cmpi ne, %convert_element_type3A, %cond3A : i32
    scf.if %cond3A_35 {
      %broadcast_in_dim3A_51 = arith.constant 0.000000e+00 : f32
      %broadcast_in_dim3A_52 = vector.broadcast %broadcast_in_dim3A_51 : f32 to vector<8x256xf32>
      %swap3A_53 = arith.constant 0 : index
      %swap3A_54 = arith.constant 0 : index
      %swap3A_55 = vector.load %arg8[%swap3A_53, %swap3A_54] : memref<8x256xf32, #tpu.memory_space<vmem>>, vector<8x256xf32>
      tpu.vector_store %arg8[%swap3A_53, %swap3A_54], %broadcast_in_dim3A_52 {strides = array<i32>} : memref<8x256xf32, #tpu.memory_space<vmem>>, vector<8x256xf32>,
    } else {
    }
    %get3A_36 = arith.constant 0 : index
    %get3A_37 = arith.constant 0 : index
    %get3A_38 = vector.load %arg8[%get3A_36, %get3A_37] : memref<8x256xf32, #tpu.memory_space<vmem>>, vector<1x256xf32>
    %broadcast_in_dim3A_39 = vector.shape_cast %reduce_sum3A_31 : vector<256xf32> to vector<1x256xf32>
    %add3A_40 = arith.addf %get3A_38, %broadcast_in_dim3A_39 : vector<1x256xf32>
    %swap3A = arith.constant 0 : index
    %swap3A_41 = arith.constant 0 : index
    %swap3A_42 = vector.load %arg8[%swap3A, %swap3A_41] : memref<8x256xf32, #tpu.memory_space<vmem>>, vector<1x256xf32>
    tpu.vector_store %arg8[%swap3A, %swap3A_41], %add3A_40 {strides = array<i32>} : memref<8x256xf32, #tpu.memory_space<vmem>>, vector<1x256xf32>,
    %get3A_43 = arith.constant 1 : index
    %get3A_44 = arith.constant 0 : index
    %get3A_45 = vector.load %arg8[%get3A_43, %get3A_44] : memref<8x256xf32, #tpu.memory_space<vmem>>, vector<1x256xf32>
    %broadcast_in_dim3A_46 = vector.shape_cast %reduce_sum3A_33 : vector<256xf32> to vector<1x256xf32>
    %add3A_47 = arith.addf %get3A_45, %broadcast_in_dim3A_46 : vector<1x256xf32>
    %swap3A_48 = arith.constant 1 : index
    %swap3A_49 = arith.constant 0 : index
    %swap3A_50 = vector.load %arg8[%swap3A_48, %swap3A_49] : memref<8x256xf32, #tpu.memory_space<vmem>>, vector<1x256xf32>
    tpu.vector_store %arg8[%swap3A_48, %swap3A_49], %add3A_47 {strides = array<i32>} : memref<8x256xf32, #tpu.memory_space<vmem>>, vector<1x256xf32>,
    return
  }
  func.func @transform_0(%arg0: i32) -> (i32, i32) {
    %c0_i32 = arith.constant 0 : i32
    %c0_i32_0 = arith.constant 0 : i32
    return %arg0, %c0_i32 : i32, i32
  }
  func.func @transform_1(%arg0: i32) -> (i32, i32) {
    %c0_i32 = arith.constant 0 : i32
    %c0_i32_0 = arith.constant 0 : i32
    return %arg0, %c0_i32 : i32, i32
  }
  func.func @transform_2(%arg0: i32) -> (i32, i32, i32) {
    %c0_i32 = arith.constant 0 : i32
    %c0_i32_0 = arith.constant 0 : i32
    %c0_i32_1 = arith.constant 0 : i32
    return %arg0, %c0_i32, %c0_i32_0 : i32, i32, i32
  }
  func.func @transform_3(%arg0: i32) -> (i32, i32) {
    %c0_i32 = arith.constant 0 : i32
    %c0_i32_0 = arith.constant 0 : i32
    %c0_i32_1 = arith.constant 0 : i32
    return %c0_i32, %c0_i32_0 : i32, i32
  }
  func.func @transform_4(%arg0: i32) -> (i32, i32) {
    %c0_i32 = arith.constant 0 : i32
    %c0_i32_0 = arith.constant 0 : i32
    %c0_i32_1 = arith.constant 0 : i32
    return %c0_i32, %c0_i32_0 : i32, i32
  }
  func.func @transform_5(%arg0: i32) -> (i32, i32) {
    %c0_i32 = arith.constant 0 : i32
    %c0_i32_0 = arith.constant 0 : i32
    %c0_i32_1 = arith.constant 0 : i32
    return %c0_i32, %c0_i32_0 : i32, i32
  }
  func.func @transform_6(%arg0: i32) -> (i32, i32) {
    %c0_i32 = arith.constant 0 : i32
    %c0_i32_0 = arith.constant 0 : i32
    %c0_i32_1 = arith.constant 0 : i32
    return %c0_i32, %c0_i32_0 : i32, i32
  }
  func.func @transform_7(%arg0: i32) -> (i32, i32) {
    %c0_i32 = arith.constant 0 : i32
    %c0_i32_0 = arith.constant 0 : i32
    %c0_i32_1 = arith.constant 0 : i32
    return %c0_i32, %c0_i32_0 : i32, i32
  }
}

module attributes {stable_mosaic.version = 14 : i64} {
  func.func @_pass2_body(%arg0: i32, %arg1: memref<400x128xf32, #tpu.memory_space<vmem>>, %arg2: memref<12800x128xf32, #tpu.memory_space<vmem>>, %arg3: memref<400x32x16xbf16, #tpu.memory_space<vmem>>, %arg4: memref<128x256xf32, #tpu.memory_space<vmem>>, %arg5: memref<128x256xf32, #tpu.memory_space<vmem>>, %arg6: memref<16x256xf32, #tpu.memory_space<vmem>>, %arg7: memref<1x256xf32, #tpu.memory_space<vmem>>, %arg8: memref<8x256xf32, #tpu.memory_space<vmem>>, %arg9: memref<1x256xf32, #tpu.memory_space<vmem>>, %arg10: memref<1x256xf32, #tpu.memory_space<vmem>>, %arg11: memref<400x128xf32, #tpu.memory_space<vmem>>, %arg12: memref<8x128xf32, #tpu.memory_space<vmem>>) attributes {dimension_semantics = [#tpu.dimension_semantics<arbitrary>], iteration_bounds = array<i64: 25>, scalar_prefetch = 0 : i64, scratch_operands = 0 : i64, tpu.core_type = #tpu.core_type<tc>, window_params = [{transform_indices = @transform_0, window_bounds = array<i64: 400, 128>}, {transform_indices = @transform_1, window_bounds = array<i64: 12800, 128>}, {transform_indices = @transform_2, window_bounds = array<i64: 400, 32, 16>}, {pipeline_mode = #tpu.pipeline_mode<synchronous>, transform_indices = @transform_3, window_bounds = array<i64: 128, 256>}, {pipeline_mode = #tpu.pipeline_mode<synchronous>, transform_indices = @transform_4, window_bounds = array<i64: 128, 256>}, {pipeline_mode = #tpu.pipeline_mode<synchronous>, transform_indices = @transform_5, window_bounds = array<i64: 16, 256>}, {pipeline_mode = #tpu.pipeline_mode<synchronous>, transform_indices = @transform_6, window_bounds = array<i64: 1, 256>}, {pipeline_mode = #tpu.pipeline_mode<synchronous>, transform_indices = @transform_7, window_bounds = array<i64: 8, 256>}, {pipeline_mode = #tpu.pipeline_mode<synchronous>, transform_indices = @transform_8, window_bounds = array<i64: 1, 256>}, {pipeline_mode = #tpu.pipeline_mode<synchronous>, transform_indices = @transform_9, window_bounds = array<i64: 1, 256>}, {transform_indices = @transform_10, window_bounds = array<i64: 400, 128>}, {pipeline_mode = #tpu.pipeline_mode<synchronous>, transform_indices = @transform_11, window_bounds = array<i64: 8, 128>}]} {
    %get3A = arith.constant 0 : index
    %get3A_0 = arith.constant 0 : index
    %get3A_1 = vector.load %arg8[%get3A, %get3A_0] : memref<8x256xf32, #tpu.memory_space<vmem>>, vector<8x256xf32>
    %reshape3A = vector.shape_cast %get3A_1 : vector<8x256xf32> to vector<1x8x256xf32>
    %reduce_sum3A = arith.constant dense<0.000000e+00> : vector<8x256xf32>
    %reduce_sum3A_2 = vector.multi_reduction <add>, %reshape3A, %reduce_sum3A [0] : vector<1x8x256xf32> to vector<8x256xf32>
    %slice3A = vector.extract_strided_slice %reduce_sum3A_2 {offsets = [0, 0], sizes = [1, 256], strides = [1, 1]} : vector<8x256xf32> to vector<1x256xf32>
    %mul3A = arith.constant 3.125000e-06 : f32
    %mul3A_3 = vector.broadcast %mul3A : f32 to vector<1x256xf32>
    %mul3A_4 = arith.mulf %slice3A, %mul3A_3 : vector<1x256xf32>
    %slice3A_5 = vector.extract_strided_slice %reduce_sum3A_2 {offsets = [1, 0], sizes = [1, 256], strides = [1, 1]} : vector<8x256xf32> to vector<1x256xf32>
    %mul3A_6 = arith.constant 3.125000e-06 : f32
    %mul3A_7 = vector.broadcast %mul3A_6 : f32 to vector<1x256xf32>
    %mul3A_8 = arith.mulf %slice3A_5, %mul3A_7 : vector<1x256xf32>
    %mul3A_9 = arith.mulf %mul3A_4, %mul3A_4 : vector<1x256xf32>
    %sub3A = arith.subf %mul3A_8, %mul3A_9 : vector<1x256xf32>
    %add3A = arith.constant 9.99999974E-6 : f32
    %add3A_10 = vector.broadcast %add3A : f32 to vector<1x256xf32>
    %add3A_11 = arith.addf %sub3A, %add3A_10 : vector<1x256xf32>
    %rsqrt3A = math.rsqrt %add3A_11 : vector<1x256xf32>
    %get3A_12 = arith.constant 0 : index
    %get3A_13 = arith.constant 0 : index
    %get3A_14 = vector.load %arg9[%get3A_12, %get3A_13] : memref<1x256xf32, #tpu.memory_space<vmem>>, vector<1x256xf32>
    %mul3A_15 = arith.mulf %get3A_14, %rsqrt3A : vector<1x256xf32>
    %get3A_16 = arith.constant 0 : index
    %get3A_17 = arith.constant 0 : index
    %get3A_18 = vector.load %arg10[%get3A_16, %get3A_17] : memref<1x256xf32, #tpu.memory_space<vmem>>, vector<1x256xf32>
    %mul3A_19 = arith.mulf %mul3A_4, %mul3A_15 : vector<1x256xf32>
    %sub3A_20 = arith.subf %get3A_18, %mul3A_19 : vector<1x256xf32>
    %get3A_21 = arith.constant 0 : index
    %get3A_22 = arith.constant 0 : index
    %get3A_23 = vector.load %arg1[%get3A_21, %get3A_22] : memref<400x128xf32, #tpu.memory_space<vmem>>, vector<400x128xf32>
    %get3A_24 = arith.constant 0 : index
    %get3A_25 = arith.constant 0 : index
    %get3A_26 = vector.load %arg4[%get3A_24, %get3A_25] : memref<128x256xf32, #tpu.memory_space<vmem>>, vector<128x256xf32>
    %dot_general3A = arith.constant dense<0.000000e+00> : vector<400x256xf32>
    %dot_general3A_27 = tpu.matmul %get3A_23, %get3A_26, %dot_general3A {dimension_numbers = #tpu.dot_dimension_numbers<[1], [0], [0], [1], [0, 0, 1, 1], [], []>, transpose_lhs_hint = false} : vector<400x128xf32>, vector<128x256xf32>, vector<400x256xf32> -> vector<400x256xf32>
    %get3A_28 = arith.constant 0 : index
    %get3A_29 = arith.constant 0 : index
    %get3A_30 = vector.load %arg7[%get3A_28, %get3A_29] : memref<1x256xf32, #tpu.memory_space<vmem>>, vector<1x256xf32>
    %add3A_31 = vector.broadcast %get3A_30 : vector<1x256xf32> to vector<400x256xf32>
    %add3A_32 = arith.addf %dot_general3A_27, %add3A_31 : vector<400x256xf32>
    %get3A_33 = arith.constant 0 : index
    %get3A_34 = arith.constant 0 : index
    %get3A_35 = vector.load %arg2[%get3A_33, %get3A_34] : memref<12800x128xf32, #tpu.memory_space<vmem>>, vector<12800x128xf32>
    %get3A_36 = arith.constant 0 : index
    %get3A_37 = arith.constant 0 : index
    %get3A_38 = vector.load %arg5[%get3A_36, %get3A_37] : memref<128x256xf32, #tpu.memory_space<vmem>>, vector<128x256xf32>
    %dot_general3A_39 = arith.constant dense<0.000000e+00> : vector<12800x256xf32>
    %dot_general3A_40 = tpu.matmul %get3A_35, %get3A_38, %dot_general3A_39 {dimension_numbers = #tpu.dot_dimension_numbers<[1], [0], [0], [1], [0, 0, 1, 1], [], []>, transpose_lhs_hint = false} : vector<12800x128xf32>, vector<128x256xf32>, vector<12800x256xf32> -> vector<12800x256xf32>
    %get3A_41 = arith.constant 0 : index
    %get3A_42 = arith.constant 0 : index
    %get3A_43 = arith.constant 0 : index
    %get3A_44 = vector.load %arg3[%get3A_41, %get3A_42, %get3A_43] : memref<400x32x16xbf16, #tpu.memory_space<vmem>>, vector<400x32x16xbf16>
    %reshape3A_45 = vector.shape_cast %get3A_44 : vector<400x32x16xbf16> to vector<12800x16xbf16>
    %get3A_46 = arith.constant 0 : index
    %get3A_47 = arith.constant 0 : index
    %get3A_48 = vector.load %arg6[%get3A_46, %get3A_47] : memref<16x256xf32, #tpu.memory_space<vmem>>, vector<16x256xf32>
    %dot_general3A_49 = arith.constant dense<0.000000e+00> : vector<12800x256xf32>
    %dot_general3A_50 = tpu.matmul %reshape3A_45, %get3A_48, %dot_general3A_49 {dimension_numbers = #tpu.dot_dimension_numbers<[1], [0], [0], [1], [0, 0, 1, 1], [], []>, transpose_lhs_hint = false} : vector<12800x16xbf16>, vector<16x256xf32>, vector<12800x256xf32> -> vector<12800x256xf32>
    %add3A_51 = arith.addf %dot_general3A_40, %dot_general3A_50 : vector<12800x256xf32>
    %reshape3A_52 = vector.shape_cast %add3A_51 : vector<12800x256xf32> to vector<400x32x256xf32>
    %broadcast_in_dim3A = vector.shape_cast %add3A_32 : vector<400x256xf32> to vector<400x1x256xf32>
    %add3A_53 = vector.broadcast %broadcast_in_dim3A : vector<400x1x256xf32> to vector<400x32x256xf32>
    %add3A_54 = arith.addf %reshape3A_52, %add3A_53 : vector<400x32x256xf32>
    %broadcast_in_dim3A_55 = arith.constant 0.000000e+00 : f32
    %broadcast_in_dim3A_56 = vector.broadcast %broadcast_in_dim3A_55 : f32 to vector<400x128xf32>
    %slice3A_57 = vector.extract_strided_slice %add3A_54 {offsets = [0, 0, 0], sizes = [400, 1, 256], strides = [1, 1, 1]} : vector<400x32x256xf32> to vector<400x1x256xf32>
    %squeeze3A = vector.shape_cast %slice3A_57 : vector<400x1x256xf32> to vector<400x256xf32>
    %mul3A_58 = vector.broadcast %mul3A_15 : vector<1x256xf32> to vector<400x256xf32>
    %mul3A_59 = arith.mulf %squeeze3A, %mul3A_58 : vector<400x256xf32>
    %add3A_60 = vector.broadcast %sub3A_20 : vector<1x256xf32> to vector<400x256xf32>
    %add3A_61 = arith.addf %mul3A_59, %add3A_60 : vector<400x256xf32>
    %slice3A_62 = vector.extract_strided_slice %add3A_61 {offsets = [0, 0], sizes = [400, 128], strides = [1, 1]} : vector<400x256xf32> to vector<400x128xf32>
    %slice3A_63 = vector.extract_strided_slice %add3A_61 {offsets = [0, 128], sizes = [400, 128], strides = [1, 1]} : vector<400x256xf32> to vector<400x128xf32>
    %neg3A = arith.constant 0.000000e+00 : f32
    %neg3A_64 = vector.broadcast %neg3A : f32 to vector<400x128xf32>
    %neg3A_65 = arith.subf %neg3A_64, %slice3A_62 : vector<400x128xf32>
    %exp3A = math.exp %neg3A_65 : vector<400x128xf32>
    %add3A_66 = arith.constant 1.000000e+00 : f32
    %add3A_67 = vector.broadcast %add3A_66 : f32 to vector<400x128xf32>
    %add3A_68 = arith.addf %add3A_67, %exp3A : vector<400x128xf32>
    %div3A = arith.constant 1.000000e+00 : f32
    %div3A_69 = vector.broadcast %div3A : f32 to vector<400x128xf32>
    %div3A_70 = arith.divf %div3A_69, %add3A_68 : vector<400x128xf32>
    %max3A = arith.constant 0.000000e+00 : f32
    %max3A_71 = vector.broadcast %max3A : f32 to vector<400x128xf32>
    %max3A_72 = arith.maximumf %slice3A_63, %max3A_71 : vector<400x128xf32>
    %abs3A = math.absf %slice3A_63 : vector<400x128xf32>
    %neg3A_73 = arith.constant 0.000000e+00 : f32
    %neg3A_74 = vector.broadcast %neg3A_73 : f32 to vector<400x128xf32>
    %neg3A_75 = arith.subf %neg3A_74, %abs3A : vector<400x128xf32>
    %exp3A_76 = math.exp %neg3A_75 : vector<400x128xf32>
    %log1p3A = math.log1p %exp3A_76 : vector<400x128xf32>
    %add3A_77 = arith.addf %max3A_72, %log1p3A : vector<400x128xf32>
    %mul3A_78 = arith.mulf %div3A_70, %add3A_77 : vector<400x128xf32>
    %add3A_79 = arith.addf %broadcast_in_dim3A_56, %mul3A_78 : vector<400x128xf32>
    %slice3A_80 = vector.extract_strided_slice %add3A_54 {offsets = [0, 1, 0], sizes = [400, 1, 256], strides = [1, 1, 1]} : vector<400x32x256xf32> to vector<400x1x256xf32>
    %squeeze3A_81 = vector.shape_cast %slice3A_80 : vector<400x1x256xf32> to vector<400x256xf32>
    %mul3A_82 = vector.broadcast %mul3A_15 : vector<1x256xf32> to vector<400x256xf32>
    %mul3A_83 = arith.mulf %squeeze3A_81, %mul3A_82 : vector<400x256xf32>
    %add3A_84 = vector.broadcast %sub3A_20 : vector<1x256xf32> to vector<400x256xf32>
    %add3A_85 = arith.addf %mul3A_83, %add3A_84 : vector<400x256xf32>
    %slice3A_86 = vector.extract_strided_slice %add3A_85 {offsets = [0, 0], sizes = [400, 128], strides = [1, 1]} : vector<400x256xf32> to vector<400x128xf32>
    %slice3A_87 = vector.extract_strided_slice %add3A_85 {offsets = [0, 128], sizes = [400, 128], strides = [1, 1]} : vector<400x256xf32> to vector<400x128xf32>
    %neg3A_88 = arith.constant 0.000000e+00 : f32
    %neg3A_89 = vector.broadcast %neg3A_88 : f32 to vector<400x128xf32>
    %neg3A_90 = arith.subf %neg3A_89, %slice3A_86 : vector<400x128xf32>
    %exp3A_91 = math.exp %neg3A_90 : vector<400x128xf32>
    %add3A_92 = arith.constant 1.000000e+00 : f32
    %add3A_93 = vector.broadcast %add3A_92 : f32 to vector<400x128xf32>
    %add3A_94 = arith.addf %add3A_93, %exp3A_91 : vector<400x128xf32>
    %div3A_95 = arith.constant 1.000000e+00 : f32
    %div3A_96 = vector.broadcast %div3A_95 : f32 to vector<400x128xf32>
    %div3A_97 = arith.divf %div3A_96, %add3A_94 : vector<400x128xf32>
    %max3A_98 = arith.constant 0.000000e+00 : f32
    %max3A_99 = vector.broadcast %max3A_98 : f32 to vector<400x128xf32>
    %max3A_100 = arith.maximumf %slice3A_87, %max3A_99 : vector<400x128xf32>
    %abs3A_101 = math.absf %slice3A_87 : vector<400x128xf32>
    %neg3A_102 = arith.constant 0.000000e+00 : f32
    %neg3A_103 = vector.broadcast %neg3A_102 : f32 to vector<400x128xf32>
    %neg3A_104 = arith.subf %neg3A_103, %abs3A_101 : vector<400x128xf32>
    %exp3A_105 = math.exp %neg3A_104 : vector<400x128xf32>
    %log1p3A_106 = math.log1p %exp3A_105 : vector<400x128xf32>
    %add3A_107 = arith.addf %max3A_100, %log1p3A_106 : vector<400x128xf32>
    %mul3A_108 = arith.mulf %div3A_97, %add3A_107 : vector<400x128xf32>
    %add3A_109 = arith.addf %add3A_79, %mul3A_108 : vector<400x128xf32>
    %slice3A_110 = vector.extract_strided_slice %add3A_54 {offsets = [0, 2, 0], sizes = [400, 1, 256], strides = [1, 1, 1]} : vector<400x32x256xf32> to vector<400x1x256xf32>
    %squeeze3A_111 = vector.shape_cast %slice3A_110 : vector<400x1x256xf32> to vector<400x256xf32>
    %mul3A_112 = vector.broadcast %mul3A_15 : vector<1x256xf32> to vector<400x256xf32>
    %mul3A_113 = arith.mulf %squeeze3A_111, %mul3A_112 : vector<400x256xf32>
    %add3A_114 = vector.broadcast %sub3A_20 : vector<1x256xf32> to vector<400x256xf32>
    %add3A_115 = arith.addf %mul3A_113, %add3A_114 : vector<400x256xf32>
    %slice3A_116 = vector.extract_strided_slice %add3A_115 {offsets = [0, 0], sizes = [400, 128], strides = [1, 1]} : vector<400x256xf32> to vector<400x128xf32>
    %slice3A_117 = vector.extract_strided_slice %add3A_115 {offsets = [0, 128], sizes = [400, 128], strides = [1, 1]} : vector<400x256xf32> to vector<400x128xf32>
    %neg3A_118 = arith.constant 0.000000e+00 : f32
    %neg3A_119 = vector.broadcast %neg3A_118 : f32 to vector<400x128xf32>
    %neg3A_120 = arith.subf %neg3A_119, %slice3A_116 : vector<400x128xf32>
    %exp3A_121 = math.exp %neg3A_120 : vector<400x128xf32>
    %add3A_122 = arith.constant 1.000000e+00 : f32
    %add3A_123 = vector.broadcast %add3A_122 : f32 to vector<400x128xf32>
    %add3A_124 = arith.addf %add3A_123, %exp3A_121 : vector<400x128xf32>
    %div3A_125 = arith.constant 1.000000e+00 : f32
    %div3A_126 = vector.broadcast %div3A_125 : f32 to vector<400x128xf32>
    %div3A_127 = arith.divf %div3A_126, %add3A_124 : vector<400x128xf32>
    %max3A_128 = arith.constant 0.000000e+00 : f32
    %max3A_129 = vector.broadcast %max3A_128 : f32 to vector<400x128xf32>
    %max3A_130 = arith.maximumf %slice3A_117, %max3A_129 : vector<400x128xf32>
    %abs3A_131 = math.absf %slice3A_117 : vector<400x128xf32>
    %neg3A_132 = arith.constant 0.000000e+00 : f32
    %neg3A_133 = vector.broadcast %neg3A_132 : f32 to vector<400x128xf32>
    %neg3A_134 = arith.subf %neg3A_133, %abs3A_131 : vector<400x128xf32>
    %exp3A_135 = math.exp %neg3A_134 : vector<400x128xf32>
    %log1p3A_136 = math.log1p %exp3A_135 : vector<400x128xf32>
    %add3A_137 = arith.addf %max3A_130, %log1p3A_136 : vector<400x128xf32>
    %mul3A_138 = arith.mulf %div3A_127, %add3A_137 : vector<400x128xf32>
    %add3A_139 = arith.addf %add3A_109, %mul3A_138 : vector<400x128xf32>
    %slice3A_140 = vector.extract_strided_slice %add3A_54 {offsets = [0, 3, 0], sizes = [400, 1, 256], strides = [1, 1, 1]} : vector<400x32x256xf32> to vector<400x1x256xf32>
    %squeeze3A_141 = vector.shape_cast %slice3A_140 : vector<400x1x256xf32> to vector<400x256xf32>
    %mul3A_142 = vector.broadcast %mul3A_15 : vector<1x256xf32> to vector<400x256xf32>
    %mul3A_143 = arith.mulf %squeeze3A_141, %mul3A_142 : vector<400x256xf32>
    %add3A_144 = vector.broadcast %sub3A_20 : vector<1x256xf32> to vector<400x256xf32>
    %add3A_145 = arith.addf %mul3A_143, %add3A_144 : vector<400x256xf32>
    %slice3A_146 = vector.extract_strided_slice %add3A_145 {offsets = [0, 0], sizes = [400, 128], strides = [1, 1]} : vector<400x256xf32> to vector<400x128xf32>
    %slice3A_147 = vector.extract_strided_slice %add3A_145 {offsets = [0, 128], sizes = [400, 128], strides = [1, 1]} : vector<400x256xf32> to vector<400x128xf32>
    %neg3A_148 = arith.constant 0.000000e+00 : f32
    %neg3A_149 = vector.broadcast %neg3A_148 : f32 to vector<400x128xf32>
    %neg3A_150 = arith.subf %neg3A_149, %slice3A_146 : vector<400x128xf32>
    %exp3A_151 = math.exp %neg3A_150 : vector<400x128xf32>
    %add3A_152 = arith.constant 1.000000e+00 : f32
    %add3A_153 = vector.broadcast %add3A_152 : f32 to vector<400x128xf32>
    %add3A_154 = arith.addf %add3A_153, %exp3A_151 : vector<400x128xf32>
    %div3A_155 = arith.constant 1.000000e+00 : f32
    %div3A_156 = vector.broadcast %div3A_155 : f32 to vector<400x128xf32>
    %div3A_157 = arith.divf %div3A_156, %add3A_154 : vector<400x128xf32>
    %max3A_158 = arith.constant 0.000000e+00 : f32
    %max3A_159 = vector.broadcast %max3A_158 : f32 to vector<400x128xf32>
    %max3A_160 = arith.maximumf %slice3A_147, %max3A_159 : vector<400x128xf32>
    %abs3A_161 = math.absf %slice3A_147 : vector<400x128xf32>
    %neg3A_162 = arith.constant 0.000000e+00 : f32
    %neg3A_163 = vector.broadcast %neg3A_162 : f32 to vector<400x128xf32>
    %neg3A_164 = arith.subf %neg3A_163, %abs3A_161 : vector<400x128xf32>
    %exp3A_165 = math.exp %neg3A_164 : vector<400x128xf32>
    %log1p3A_166 = math.log1p %exp3A_165 : vector<400x128xf32>
    %add3A_167 = arith.addf %max3A_160, %log1p3A_166 : vector<400x128xf32>
    %mul3A_168 = arith.mulf %div3A_157, %add3A_167 : vector<400x128xf32>
    %add3A_169 = arith.addf %add3A_139, %mul3A_168 : vector<400x128xf32>
    %slice3A_170 = vector.extract_strided_slice %add3A_54 {offsets = [0, 4, 0], sizes = [400, 1, 256], strides = [1, 1, 1]} : vector<400x32x256xf32> to vector<400x1x256xf32>
    %squeeze3A_171 = vector.shape_cast %slice3A_170 : vector<400x1x256xf32> to vector<400x256xf32>
    %mul3A_172 = vector.broadcast %mul3A_15 : vector<1x256xf32> to vector<400x256xf32>
    %mul3A_173 = arith.mulf %squeeze3A_171, %mul3A_172 : vector<400x256xf32>
    %add3A_174 = vector.broadcast %sub3A_20 : vector<1x256xf32> to vector<400x256xf32>
    %add3A_175 = arith.addf %mul3A_173, %add3A_174 : vector<400x256xf32>
    %slice3A_176 = vector.extract_strided_slice %add3A_175 {offsets = [0, 0], sizes = [400, 128], strides = [1, 1]} : vector<400x256xf32> to vector<400x128xf32>
    %slice3A_177 = vector.extract_strided_slice %add3A_175 {offsets = [0, 128], sizes = [400, 128], strides = [1, 1]} : vector<400x256xf32> to vector<400x128xf32>
    %neg3A_178 = arith.constant 0.000000e+00 : f32
    %neg3A_179 = vector.broadcast %neg3A_178 : f32 to vector<400x128xf32>
    %neg3A_180 = arith.subf %neg3A_179, %slice3A_176 : vector<400x128xf32>
    %exp3A_181 = math.exp %neg3A_180 : vector<400x128xf32>
    %add3A_182 = arith.constant 1.000000e+00 : f32
    %add3A_183 = vector.broadcast %add3A_182 : f32 to vector<400x128xf32>
    %add3A_184 = arith.addf %add3A_183, %exp3A_181 : vector<400x128xf32>
    %div3A_185 = arith.constant 1.000000e+00 : f32
    %div3A_186 = vector.broadcast %div3A_185 : f32 to vector<400x128xf32>
    %div3A_187 = arith.divf %div3A_186, %add3A_184 : vector<400x128xf32>
    %max3A_188 = arith.constant 0.000000e+00 : f32
    %max3A_189 = vector.broadcast %max3A_188 : f32 to vector<400x128xf32>
    %max3A_190 = arith.maximumf %slice3A_177, %max3A_189 : vector<400x128xf32>
    %abs3A_191 = math.absf %slice3A_177 : vector<400x128xf32>
    %neg3A_192 = arith.constant 0.000000e+00 : f32
    %neg3A_193 = vector.broadcast %neg3A_192 : f32 to vector<400x128xf32>
    %neg3A_194 = arith.subf %neg3A_193, %abs3A_191 : vector<400x128xf32>
    %exp3A_195 = math.exp %neg3A_194 : vector<400x128xf32>
    %log1p3A_196 = math.log1p %exp3A_195 : vector<400x128xf32>
    %add3A_197 = arith.addf %max3A_190, %log1p3A_196 : vector<400x128xf32>
    %mul3A_198 = arith.mulf %div3A_187, %add3A_197 : vector<400x128xf32>
    %add3A_199 = arith.addf %add3A_169, %mul3A_198 : vector<400x128xf32>
    %slice3A_200 = vector.extract_strided_slice %add3A_54 {offsets = [0, 5, 0], sizes = [400, 1, 256], strides = [1, 1, 1]} : vector<400x32x256xf32> to vector<400x1x256xf32>
    %squeeze3A_201 = vector.shape_cast %slice3A_200 : vector<400x1x256xf32> to vector<400x256xf32>
    %mul3A_202 = vector.broadcast %mul3A_15 : vector<1x256xf32> to vector<400x256xf32>
    %mul3A_203 = arith.mulf %squeeze3A_201, %mul3A_202 : vector<400x256xf32>
    %add3A_204 = vector.broadcast %sub3A_20 : vector<1x256xf32> to vector<400x256xf32>
    %add3A_205 = arith.addf %mul3A_203, %add3A_204 : vector<400x256xf32>
    %slice3A_206 = vector.extract_strided_slice %add3A_205 {offsets = [0, 0], sizes = [400, 128], strides = [1, 1]} : vector<400x256xf32> to vector<400x128xf32>
    %slice3A_207 = vector.extract_strided_slice %add3A_205 {offsets = [0, 128], sizes = [400, 128], strides = [1, 1]} : vector<400x256xf32> to vector<400x128xf32>
    %neg3A_208 = arith.constant 0.000000e+00 : f32
    %neg3A_209 = vector.broadcast %neg3A_208 : f32 to vector<400x128xf32>
    %neg3A_210 = arith.subf %neg3A_209, %slice3A_206 : vector<400x128xf32>
    %exp3A_211 = math.exp %neg3A_210 : vector<400x128xf32>
    %add3A_212 = arith.constant 1.000000e+00 : f32
    %add3A_213 = vector.broadcast %add3A_212 : f32 to vector<400x128xf32>
    %add3A_214 = arith.addf %add3A_213, %exp3A_211 : vector<400x128xf32>
    %div3A_215 = arith.constant 1.000000e+00 : f32
    %div3A_216 = vector.broadcast %div3A_215 : f32 to vector<400x128xf32>
    %div3A_217 = arith.divf %div3A_216, %add3A_214 : vector<400x128xf32>
    %max3A_218 = arith.constant 0.000000e+00 : f32
    %max3A_219 = vector.broadcast %max3A_218 : f32 to vector<400x128xf32>
    %max3A_220 = arith.maximumf %slice3A_207, %max3A_219 : vector<400x128xf32>
    %abs3A_221 = math.absf %slice3A_207 : vector<400x128xf32>
    %neg3A_222 = arith.constant 0.000000e+00 : f32
    %neg3A_223 = vector.broadcast %neg3A_222 : f32 to vector<400x128xf32>
    %neg3A_224 = arith.subf %neg3A_223, %abs3A_221 : vector<400x128xf32>
    %exp3A_225 = math.exp %neg3A_224 : vector<400x128xf32>
    %log1p3A_226 = math.log1p %exp3A_225 : vector<400x128xf32>
    %add3A_227 = arith.addf %max3A_220, %log1p3A_226 : vector<400x128xf32>
    %mul3A_228 = arith.mulf %div3A_217, %add3A_227 : vector<400x128xf32>
    %add3A_229 = arith.addf %add3A_199, %mul3A_228 : vector<400x128xf32>
    %slice3A_230 = vector.extract_strided_slice %add3A_54 {offsets = [0, 6, 0], sizes = [400, 1, 256], strides = [1, 1, 1]} : vector<400x32x256xf32> to vector<400x1x256xf32>
    %squeeze3A_231 = vector.shape_cast %slice3A_230 : vector<400x1x256xf32> to vector<400x256xf32>
    %mul3A_232 = vector.broadcast %mul3A_15 : vector<1x256xf32> to vector<400x256xf32>
    %mul3A_233 = arith.mulf %squeeze3A_231, %mul3A_232 : vector<400x256xf32>
    %add3A_234 = vector.broadcast %sub3A_20 : vector<1x256xf32> to vector<400x256xf32>
    %add3A_235 = arith.addf %mul3A_233, %add3A_234 : vector<400x256xf32>
    %slice3A_236 = vector.extract_strided_slice %add3A_235 {offsets = [0, 0], sizes = [400, 128], strides = [1, 1]} : vector<400x256xf32> to vector<400x128xf32>
    %slice3A_237 = vector.extract_strided_slice %add3A_235 {offsets = [0, 128], sizes = [400, 128], strides = [1, 1]} : vector<400x256xf32> to vector<400x128xf32>
    %neg3A_238 = arith.constant 0.000000e+00 : f32
    %neg3A_239 = vector.broadcast %neg3A_238 : f32 to vector<400x128xf32>
    %neg3A_240 = arith.subf %neg3A_239, %slice3A_236 : vector<400x128xf32>
    %exp3A_241 = math.exp %neg3A_240 : vector<400x128xf32>
    %add3A_242 = arith.constant 1.000000e+00 : f32
    %add3A_243 = vector.broadcast %add3A_242 : f32 to vector<400x128xf32>
    %add3A_244 = arith.addf %add3A_243, %exp3A_241 : vector<400x128xf32>
    %div3A_245 = arith.constant 1.000000e+00 : f32
    %div3A_246 = vector.broadcast %div3A_245 : f32 to vector<400x128xf32>
    %div3A_247 = arith.divf %div3A_246, %add3A_244 : vector<400x128xf32>
    %max3A_248 = arith.constant 0.000000e+00 : f32
    %max3A_249 = vector.broadcast %max3A_248 : f32 to vector<400x128xf32>
    %max3A_250 = arith.maximumf %slice3A_237, %max3A_249 : vector<400x128xf32>
    %abs3A_251 = math.absf %slice3A_237 : vector<400x128xf32>
    %neg3A_252 = arith.constant 0.000000e+00 : f32
    %neg3A_253 = vector.broadcast %neg3A_252 : f32 to vector<400x128xf32>
    %neg3A_254 = arith.subf %neg3A_253, %abs3A_251 : vector<400x128xf32>
    %exp3A_255 = math.exp %neg3A_254 : vector<400x128xf32>
    %log1p3A_256 = math.log1p %exp3A_255 : vector<400x128xf32>
    %add3A_257 = arith.addf %max3A_250, %log1p3A_256 : vector<400x128xf32>
    %mul3A_258 = arith.mulf %div3A_247, %add3A_257 : vector<400x128xf32>
    %add3A_259 = arith.addf %add3A_229, %mul3A_258 : vector<400x128xf32>
    %slice3A_260 = vector.extract_strided_slice %add3A_54 {offsets = [0, 7, 0], sizes = [400, 1, 256], strides = [1, 1, 1]} : vector<400x32x256xf32> to vector<400x1x256xf32>
    %squeeze3A_261 = vector.shape_cast %slice3A_260 : vector<400x1x256xf32> to vector<400x256xf32>
    %mul3A_262 = vector.broadcast %mul3A_15 : vector<1x256xf32> to vector<400x256xf32>
    %mul3A_263 = arith.mulf %squeeze3A_261, %mul3A_262 : vector<400x256xf32>
    %add3A_264 = vector.broadcast %sub3A_20 : vector<1x256xf32> to vector<400x256xf32>
    %add3A_265 = arith.addf %mul3A_263, %add3A_264 : vector<400x256xf32>
    %slice3A_266 = vector.extract_strided_slice %add3A_265 {offsets = [0, 0], sizes = [400, 128], strides = [1, 1]} : vector<400x256xf32> to vector<400x128xf32>
    %slice3A_267 = vector.extract_strided_slice %add3A_265 {offsets = [0, 128], sizes = [400, 128], strides = [1, 1]} : vector<400x256xf32> to vector<400x128xf32>
    %neg3A_268 = arith.constant 0.000000e+00 : f32
    %neg3A_269 = vector.broadcast %neg3A_268 : f32 to vector<400x128xf32>
    %neg3A_270 = arith.subf %neg3A_269, %slice3A_266 : vector<400x128xf32>
    %exp3A_271 = math.exp %neg3A_270 : vector<400x128xf32>
    %add3A_272 = arith.constant 1.000000e+00 : f32
    %add3A_273 = vector.broadcast %add3A_272 : f32 to vector<400x128xf32>
    %add3A_274 = arith.addf %add3A_273, %exp3A_271 : vector<400x128xf32>
    %div3A_275 = arith.constant 1.000000e+00 : f32
    %div3A_276 = vector.broadcast %div3A_275 : f32 to vector<400x128xf32>
    %div3A_277 = arith.divf %div3A_276, %add3A_274 : vector<400x128xf32>
    %max3A_278 = arith.constant 0.000000e+00 : f32
    %max3A_279 = vector.broadcast %max3A_278 : f32 to vector<400x128xf32>
    %max3A_280 = arith.maximumf %slice3A_267, %max3A_279 : vector<400x128xf32>
    %abs3A_281 = math.absf %slice3A_267 : vector<400x128xf32>
    %neg3A_282 = arith.constant 0.000000e+00 : f32
    %neg3A_283 = vector.broadcast %neg3A_282 : f32 to vector<400x128xf32>
    %neg3A_284 = arith.subf %neg3A_283, %abs3A_281 : vector<400x128xf32>
    %exp3A_285 = math.exp %neg3A_284 : vector<400x128xf32>
    %log1p3A_286 = math.log1p %exp3A_285 : vector<400x128xf32>
    %add3A_287 = arith.addf %max3A_280, %log1p3A_286 : vector<400x128xf32>
    %mul3A_288 = arith.mulf %div3A_277, %add3A_287 : vector<400x128xf32>
    %add3A_289 = arith.addf %add3A_259, %mul3A_288 : vector<400x128xf32>
    %slice3A_290 = vector.extract_strided_slice %add3A_54 {offsets = [0, 8, 0], sizes = [400, 1, 256], strides = [1, 1, 1]} : vector<400x32x256xf32> to vector<400x1x256xf32>
    %squeeze3A_291 = vector.shape_cast %slice3A_290 : vector<400x1x256xf32> to vector<400x256xf32>
    %mul3A_292 = vector.broadcast %mul3A_15 : vector<1x256xf32> to vector<400x256xf32>
    %mul3A_293 = arith.mulf %squeeze3A_291, %mul3A_292 : vector<400x256xf32>
    %add3A_294 = vector.broadcast %sub3A_20 : vector<1x256xf32> to vector<400x256xf32>
    %add3A_295 = arith.addf %mul3A_293, %add3A_294 : vector<400x256xf32>
    %slice3A_296 = vector.extract_strided_slice %add3A_295 {offsets = [0, 0], sizes = [400, 128], strides = [1, 1]} : vector<400x256xf32> to vector<400x128xf32>
    %slice3A_297 = vector.extract_strided_slice %add3A_295 {offsets = [0, 128], sizes = [400, 128], strides = [1, 1]} : vector<400x256xf32> to vector<400x128xf32>
    %neg3A_298 = arith.constant 0.000000e+00 : f32
    %neg3A_299 = vector.broadcast %neg3A_298 : f32 to vector<400x128xf32>
    %neg3A_300 = arith.subf %neg3A_299, %slice3A_296 : vector<400x128xf32>
    %exp3A_301 = math.exp %neg3A_300 : vector<400x128xf32>
    %add3A_302 = arith.constant 1.000000e+00 : f32
    %add3A_303 = vector.broadcast %add3A_302 : f32 to vector<400x128xf32>
    %add3A_304 = arith.addf %add3A_303, %exp3A_301 : vector<400x128xf32>
    %div3A_305 = arith.constant 1.000000e+00 : f32
    %div3A_306 = vector.broadcast %div3A_305 : f32 to vector<400x128xf32>
    %div3A_307 = arith.divf %div3A_306, %add3A_304 : vector<400x128xf32>
    %max3A_308 = arith.constant 0.000000e+00 : f32
    %max3A_309 = vector.broadcast %max3A_308 : f32 to vector<400x128xf32>
    %max3A_310 = arith.maximumf %slice3A_297, %max3A_309 : vector<400x128xf32>
    %abs3A_311 = math.absf %slice3A_297 : vector<400x128xf32>
    %neg3A_312 = arith.constant 0.000000e+00 : f32
    %neg3A_313 = vector.broadcast %neg3A_312 : f32 to vector<400x128xf32>
    %neg3A_314 = arith.subf %neg3A_313, %abs3A_311 : vector<400x128xf32>
    %exp3A_315 = math.exp %neg3A_314 : vector<400x128xf32>
    %log1p3A_316 = math.log1p %exp3A_315 : vector<400x128xf32>
    %add3A_317 = arith.addf %max3A_310, %log1p3A_316 : vector<400x128xf32>
    %mul3A_318 = arith.mulf %div3A_307, %add3A_317 : vector<400x128xf32>
    %add3A_319 = arith.addf %add3A_289, %mul3A_318 : vector<400x128xf32>
    %slice3A_320 = vector.extract_strided_slice %add3A_54 {offsets = [0, 9, 0], sizes = [400, 1, 256], strides = [1, 1, 1]} : vector<400x32x256xf32> to vector<400x1x256xf32>
    %squeeze3A_321 = vector.shape_cast %slice3A_320 : vector<400x1x256xf32> to vector<400x256xf32>
    %mul3A_322 = vector.broadcast %mul3A_15 : vector<1x256xf32> to vector<400x256xf32>
    %mul3A_323 = arith.mulf %squeeze3A_321, %mul3A_322 : vector<400x256xf32>
    %add3A_324 = vector.broadcast %sub3A_20 : vector<1x256xf32> to vector<400x256xf32>
    %add3A_325 = arith.addf %mul3A_323, %add3A_324 : vector<400x256xf32>
    %slice3A_326 = vector.extract_strided_slice %add3A_325 {offsets = [0, 0], sizes = [400, 128], strides = [1, 1]} : vector<400x256xf32> to vector<400x128xf32>
    %slice3A_327 = vector.extract_strided_slice %add3A_325 {offsets = [0, 128], sizes = [400, 128], strides = [1, 1]} : vector<400x256xf32> to vector<400x128xf32>
    %neg3A_328 = arith.constant 0.000000e+00 : f32
    %neg3A_329 = vector.broadcast %neg3A_328 : f32 to vector<400x128xf32>
    %neg3A_330 = arith.subf %neg3A_329, %slice3A_326 : vector<400x128xf32>
    %exp3A_331 = math.exp %neg3A_330 : vector<400x128xf32>
    %add3A_332 = arith.constant 1.000000e+00 : f32
    %add3A_333 = vector.broadcast %add3A_332 : f32 to vector<400x128xf32>
    %add3A_334 = arith.addf %add3A_333, %exp3A_331 : vector<400x128xf32>
    %div3A_335 = arith.constant 1.000000e+00 : f32
    %div3A_336 = vector.broadcast %div3A_335 : f32 to vector<400x128xf32>
    %div3A_337 = arith.divf %div3A_336, %add3A_334 : vector<400x128xf32>
    %max3A_338 = arith.constant 0.000000e+00 : f32
    %max3A_339 = vector.broadcast %max3A_338 : f32 to vector<400x128xf32>
    %max3A_340 = arith.maximumf %slice3A_327, %max3A_339 : vector<400x128xf32>
    %abs3A_341 = math.absf %slice3A_327 : vector<400x128xf32>
    %neg3A_342 = arith.constant 0.000000e+00 : f32
    %neg3A_343 = vector.broadcast %neg3A_342 : f32 to vector<400x128xf32>
    %neg3A_344 = arith.subf %neg3A_343, %abs3A_341 : vector<400x128xf32>
    %exp3A_345 = math.exp %neg3A_344 : vector<400x128xf32>
    %log1p3A_346 = math.log1p %exp3A_345 : vector<400x128xf32>
    %add3A_347 = arith.addf %max3A_340, %log1p3A_346 : vector<400x128xf32>
    %mul3A_348 = arith.mulf %div3A_337, %add3A_347 : vector<400x128xf32>
    %add3A_349 = arith.addf %add3A_319, %mul3A_348 : vector<400x128xf32>
    %slice3A_350 = vector.extract_strided_slice %add3A_54 {offsets = [0, 10, 0], sizes = [400, 1, 256], strides = [1, 1, 1]} : vector<400x32x256xf32> to vector<400x1x256xf32>
    %squeeze3A_351 = vector.shape_cast %slice3A_350 : vector<400x1x256xf32> to vector<400x256xf32>
    %mul3A_352 = vector.broadcast %mul3A_15 : vector<1x256xf32> to vector<400x256xf32>
    %mul3A_353 = arith.mulf %squeeze3A_351, %mul3A_352 : vector<400x256xf32>
    %add3A_354 = vector.broadcast %sub3A_20 : vector<1x256xf32> to vector<400x256xf32>
    %add3A_355 = arith.addf %mul3A_353, %add3A_354 : vector<400x256xf32>
    %slice3A_356 = vector.extract_strided_slice %add3A_355 {offsets = [0, 0], sizes = [400, 128], strides = [1, 1]} : vector<400x256xf32> to vector<400x128xf32>
    %slice3A_357 = vector.extract_strided_slice %add3A_355 {offsets = [0, 128], sizes = [400, 128], strides = [1, 1]} : vector<400x256xf32> to vector<400x128xf32>
    %neg3A_358 = arith.constant 0.000000e+00 : f32
    %neg3A_359 = vector.broadcast %neg3A_358 : f32 to vector<400x128xf32>
    %neg3A_360 = arith.subf %neg3A_359, %slice3A_356 : vector<400x128xf32>
    %exp3A_361 = math.exp %neg3A_360 : vector<400x128xf32>
    %add3A_362 = arith.constant 1.000000e+00 : f32
    %add3A_363 = vector.broadcast %add3A_362 : f32 to vector<400x128xf32>
    %add3A_364 = arith.addf %add3A_363, %exp3A_361 : vector<400x128xf32>
    %div3A_365 = arith.constant 1.000000e+00 : f32
    %div3A_366 = vector.broadcast %div3A_365 : f32 to vector<400x128xf32>
    %div3A_367 = arith.divf %div3A_366, %add3A_364 : vector<400x128xf32>
    %max3A_368 = arith.constant 0.000000e+00 : f32
    %max3A_369 = vector.broadcast %max3A_368 : f32 to vector<400x128xf32>
    %max3A_370 = arith.maximumf %slice3A_357, %max3A_369 : vector<400x128xf32>
    %abs3A_371 = math.absf %slice3A_357 : vector<400x128xf32>
    %neg3A_372 = arith.constant 0.000000e+00 : f32
    %neg3A_373 = vector.broadcast %neg3A_372 : f32 to vector<400x128xf32>
    %neg3A_374 = arith.subf %neg3A_373, %abs3A_371 : vector<400x128xf32>
    %exp3A_375 = math.exp %neg3A_374 : vector<400x128xf32>
    %log1p3A_376 = math.log1p %exp3A_375 : vector<400x128xf32>
    %add3A_377 = arith.addf %max3A_370, %log1p3A_376 : vector<400x128xf32>
    %mul3A_378 = arith.mulf %div3A_367, %add3A_377 : vector<400x128xf32>
    %add3A_379 = arith.addf %add3A_349, %mul3A_378 : vector<400x128xf32>
    %slice3A_380 = vector.extract_strided_slice %add3A_54 {offsets = [0, 11, 0], sizes = [400, 1, 256], strides = [1, 1, 1]} : vector<400x32x256xf32> to vector<400x1x256xf32>
    %squeeze3A_381 = vector.shape_cast %slice3A_380 : vector<400x1x256xf32> to vector<400x256xf32>
    %mul3A_382 = vector.broadcast %mul3A_15 : vector<1x256xf32> to vector<400x256xf32>
    %mul3A_383 = arith.mulf %squeeze3A_381, %mul3A_382 : vector<400x256xf32>
    %add3A_384 = vector.broadcast %sub3A_20 : vector<1x256xf32> to vector<400x256xf32>
    %add3A_385 = arith.addf %mul3A_383, %add3A_384 : vector<400x256xf32>
    %slice3A_386 = vector.extract_strided_slice %add3A_385 {offsets = [0, 0], sizes = [400, 128], strides = [1, 1]} : vector<400x256xf32> to vector<400x128xf32>
    %slice3A_387 = vector.extract_strided_slice %add3A_385 {offsets = [0, 128], sizes = [400, 128], strides = [1, 1]} : vector<400x256xf32> to vector<400x128xf32>
    %neg3A_388 = arith.constant 0.000000e+00 : f32
    %neg3A_389 = vector.broadcast %neg3A_388 : f32 to vector<400x128xf32>
    %neg3A_390 = arith.subf %neg3A_389, %slice3A_386 : vector<400x128xf32>
    %exp3A_391 = math.exp %neg3A_390 : vector<400x128xf32>
    %add3A_392 = arith.constant 1.000000e+00 : f32
    %add3A_393 = vector.broadcast %add3A_392 : f32 to vector<400x128xf32>
    %add3A_394 = arith.addf %add3A_393, %exp3A_391 : vector<400x128xf32>
    %div3A_395 = arith.constant 1.000000e+00 : f32
    %div3A_396 = vector.broadcast %div3A_395 : f32 to vector<400x128xf32>
    %div3A_397 = arith.divf %div3A_396, %add3A_394 : vector<400x128xf32>
    %max3A_398 = arith.constant 0.000000e+00 : f32
    %max3A_399 = vector.broadcast %max3A_398 : f32 to vector<400x128xf32>
    %max3A_400 = arith.maximumf %slice3A_387, %max3A_399 : vector<400x128xf32>
    %abs3A_401 = math.absf %slice3A_387 : vector<400x128xf32>
    %neg3A_402 = arith.constant 0.000000e+00 : f32
    %neg3A_403 = vector.broadcast %neg3A_402 : f32 to vector<400x128xf32>
    %neg3A_404 = arith.subf %neg3A_403, %abs3A_401 : vector<400x128xf32>
    %exp3A_405 = math.exp %neg3A_404 : vector<400x128xf32>
    %log1p3A_406 = math.log1p %exp3A_405 : vector<400x128xf32>
    %add3A_407 = arith.addf %max3A_400, %log1p3A_406 : vector<400x128xf32>
    %mul3A_408 = arith.mulf %div3A_397, %add3A_407 : vector<400x128xf32>
    %add3A_409 = arith.addf %add3A_379, %mul3A_408 : vector<400x128xf32>
    %slice3A_410 = vector.extract_strided_slice %add3A_54 {offsets = [0, 12, 0], sizes = [400, 1, 256], strides = [1, 1, 1]} : vector<400x32x256xf32> to vector<400x1x256xf32>
    %squeeze3A_411 = vector.shape_cast %slice3A_410 : vector<400x1x256xf32> to vector<400x256xf32>
    %mul3A_412 = vector.broadcast %mul3A_15 : vector<1x256xf32> to vector<400x256xf32>
    %mul3A_413 = arith.mulf %squeeze3A_411, %mul3A_412 : vector<400x256xf32>
    %add3A_414 = vector.broadcast %sub3A_20 : vector<1x256xf32> to vector<400x256xf32>
    %add3A_415 = arith.addf %mul3A_413, %add3A_414 : vector<400x256xf32>
    %slice3A_416 = vector.extract_strided_slice %add3A_415 {offsets = [0, 0], sizes = [400, 128], strides = [1, 1]} : vector<400x256xf32> to vector<400x128xf32>
    %slice3A_417 = vector.extract_strided_slice %add3A_415 {offsets = [0, 128], sizes = [400, 128], strides = [1, 1]} : vector<400x256xf32> to vector<400x128xf32>
    %neg3A_418 = arith.constant 0.000000e+00 : f32
    %neg3A_419 = vector.broadcast %neg3A_418 : f32 to vector<400x128xf32>
    %neg3A_420 = arith.subf %neg3A_419, %slice3A_416 : vector<400x128xf32>
    %exp3A_421 = math.exp %neg3A_420 : vector<400x128xf32>
    %add3A_422 = arith.constant 1.000000e+00 : f32
    %add3A_423 = vector.broadcast %add3A_422 : f32 to vector<400x128xf32>
    %add3A_424 = arith.addf %add3A_423, %exp3A_421 : vector<400x128xf32>
    %div3A_425 = arith.constant 1.000000e+00 : f32
    %div3A_426 = vector.broadcast %div3A_425 : f32 to vector<400x128xf32>
    %div3A_427 = arith.divf %div3A_426, %add3A_424 : vector<400x128xf32>
    %max3A_428 = arith.constant 0.000000e+00 : f32
    %max3A_429 = vector.broadcast %max3A_428 : f32 to vector<400x128xf32>
    %max3A_430 = arith.maximumf %slice3A_417, %max3A_429 : vector<400x128xf32>
    %abs3A_431 = math.absf %slice3A_417 : vector<400x128xf32>
    %neg3A_432 = arith.constant 0.000000e+00 : f32
    %neg3A_433 = vector.broadcast %neg3A_432 : f32 to vector<400x128xf32>
    %neg3A_434 = arith.subf %neg3A_433, %abs3A_431 : vector<400x128xf32>
    %exp3A_435 = math.exp %neg3A_434 : vector<400x128xf32>
    %log1p3A_436 = math.log1p %exp3A_435 : vector<400x128xf32>
    %add3A_437 = arith.addf %max3A_430, %log1p3A_436 : vector<400x128xf32>
    %mul3A_438 = arith.mulf %div3A_427, %add3A_437 : vector<400x128xf32>
    %add3A_439 = arith.addf %add3A_409, %mul3A_438 : vector<400x128xf32>
    %slice3A_440 = vector.extract_strided_slice %add3A_54 {offsets = [0, 13, 0], sizes = [400, 1, 256], strides = [1, 1, 1]} : vector<400x32x256xf32> to vector<400x1x256xf32>
    %squeeze3A_441 = vector.shape_cast %slice3A_440 : vector<400x1x256xf32> to vector<400x256xf32>
    %mul3A_442 = vector.broadcast %mul3A_15 : vector<1x256xf32> to vector<400x256xf32>
    %mul3A_443 = arith.mulf %squeeze3A_441, %mul3A_442 : vector<400x256xf32>
    %add3A_444 = vector.broadcast %sub3A_20 : vector<1x256xf32> to vector<400x256xf32>
    %add3A_445 = arith.addf %mul3A_443, %add3A_444 : vector<400x256xf32>
    %slice3A_446 = vector.extract_strided_slice %add3A_445 {offsets = [0, 0], sizes = [400, 128], strides = [1, 1]} : vector<400x256xf32> to vector<400x128xf32>
    %slice3A_447 = vector.extract_strided_slice %add3A_445 {offsets = [0, 128], sizes = [400, 128], strides = [1, 1]} : vector<400x256xf32> to vector<400x128xf32>
    %neg3A_448 = arith.constant 0.000000e+00 : f32
    %neg3A_449 = vector.broadcast %neg3A_448 : f32 to vector<400x128xf32>
    %neg3A_450 = arith.subf %neg3A_449, %slice3A_446 : vector<400x128xf32>
    %exp3A_451 = math.exp %neg3A_450 : vector<400x128xf32>
    %add3A_452 = arith.constant 1.000000e+00 : f32
    %add3A_453 = vector.broadcast %add3A_452 : f32 to vector<400x128xf32>
    %add3A_454 = arith.addf %add3A_453, %exp3A_451 : vector<400x128xf32>
    %div3A_455 = arith.constant 1.000000e+00 : f32
    %div3A_456 = vector.broadcast %div3A_455 : f32 to vector<400x128xf32>
    %div3A_457 = arith.divf %div3A_456, %add3A_454 : vector<400x128xf32>
    %max3A_458 = arith.constant 0.000000e+00 : f32
    %max3A_459 = vector.broadcast %max3A_458 : f32 to vector<400x128xf32>
    %max3A_460 = arith.maximumf %slice3A_447, %max3A_459 : vector<400x128xf32>
    %abs3A_461 = math.absf %slice3A_447 : vector<400x128xf32>
    %neg3A_462 = arith.constant 0.000000e+00 : f32
    %neg3A_463 = vector.broadcast %neg3A_462 : f32 to vector<400x128xf32>
    %neg3A_464 = arith.subf %neg3A_463, %abs3A_461 : vector<400x128xf32>
    %exp3A_465 = math.exp %neg3A_464 : vector<400x128xf32>
    %log1p3A_466 = math.log1p %exp3A_465 : vector<400x128xf32>
    %add3A_467 = arith.addf %max3A_460, %log1p3A_466 : vector<400x128xf32>
    %mul3A_468 = arith.mulf %div3A_457, %add3A_467 : vector<400x128xf32>
    %add3A_469 = arith.addf %add3A_439, %mul3A_468 : vector<400x128xf32>
    %slice3A_470 = vector.extract_strided_slice %add3A_54 {offsets = [0, 14, 0], sizes = [400, 1, 256], strides = [1, 1, 1]} : vector<400x32x256xf32> to vector<400x1x256xf32>
    %squeeze3A_471 = vector.shape_cast %slice3A_470 : vector<400x1x256xf32> to vector<400x256xf32>
    %mul3A_472 = vector.broadcast %mul3A_15 : vector<1x256xf32> to vector<400x256xf32>
    %mul3A_473 = arith.mulf %squeeze3A_471, %mul3A_472 : vector<400x256xf32>
    %add3A_474 = vector.broadcast %sub3A_20 : vector<1x256xf32> to vector<400x256xf32>
    %add3A_475 = arith.addf %mul3A_473, %add3A_474 : vector<400x256xf32>
    %slice3A_476 = vector.extract_strided_slice %add3A_475 {offsets = [0, 0], sizes = [400, 128], strides = [1, 1]} : vector<400x256xf32> to vector<400x128xf32>
    %slice3A_477 = vector.extract_strided_slice %add3A_475 {offsets = [0, 128], sizes = [400, 128], strides = [1, 1]} : vector<400x256xf32> to vector<400x128xf32>
    %neg3A_478 = arith.constant 0.000000e+00 : f32
    %neg3A_479 = vector.broadcast %neg3A_478 : f32 to vector<400x128xf32>
    %neg3A_480 = arith.subf %neg3A_479, %slice3A_476 : vector<400x128xf32>
    %exp3A_481 = math.exp %neg3A_480 : vector<400x128xf32>
    %add3A_482 = arith.constant 1.000000e+00 : f32
    %add3A_483 = vector.broadcast %add3A_482 : f32 to vector<400x128xf32>
    %add3A_484 = arith.addf %add3A_483, %exp3A_481 : vector<400x128xf32>
    %div3A_485 = arith.constant 1.000000e+00 : f32
    %div3A_486 = vector.broadcast %div3A_485 : f32 to vector<400x128xf32>
    %div3A_487 = arith.divf %div3A_486, %add3A_484 : vector<400x128xf32>
    %max3A_488 = arith.constant 0.000000e+00 : f32
    %max3A_489 = vector.broadcast %max3A_488 : f32 to vector<400x128xf32>
    %max3A_490 = arith.maximumf %slice3A_477, %max3A_489 : vector<400x128xf32>
    %abs3A_491 = math.absf %slice3A_477 : vector<400x128xf32>
    %neg3A_492 = arith.constant 0.000000e+00 : f32
    %neg3A_493 = vector.broadcast %neg3A_492 : f32 to vector<400x128xf32>
    %neg3A_494 = arith.subf %neg3A_493, %abs3A_491 : vector<400x128xf32>
    %exp3A_495 = math.exp %neg3A_494 : vector<400x128xf32>
    %log1p3A_496 = math.log1p %exp3A_495 : vector<400x128xf32>
    %add3A_497 = arith.addf %max3A_490, %log1p3A_496 : vector<400x128xf32>
    %mul3A_498 = arith.mulf %div3A_487, %add3A_497 : vector<400x128xf32>
    %add3A_499 = arith.addf %add3A_469, %mul3A_498 : vector<400x128xf32>
    %slice3A_500 = vector.extract_strided_slice %add3A_54 {offsets = [0, 15, 0], sizes = [400, 1, 256], strides = [1, 1, 1]} : vector<400x32x256xf32> to vector<400x1x256xf32>
    %squeeze3A_501 = vector.shape_cast %slice3A_500 : vector<400x1x256xf32> to vector<400x256xf32>
    %mul3A_502 = vector.broadcast %mul3A_15 : vector<1x256xf32> to vector<400x256xf32>
    %mul3A_503 = arith.mulf %squeeze3A_501, %mul3A_502 : vector<400x256xf32>
    %add3A_504 = vector.broadcast %sub3A_20 : vector<1x256xf32> to vector<400x256xf32>
    %add3A_505 = arith.addf %mul3A_503, %add3A_504 : vector<400x256xf32>
    %slice3A_506 = vector.extract_strided_slice %add3A_505 {offsets = [0, 0], sizes = [400, 128], strides = [1, 1]} : vector<400x256xf32> to vector<400x128xf32>
    %slice3A_507 = vector.extract_strided_slice %add3A_505 {offsets = [0, 128], sizes = [400, 128], strides = [1, 1]} : vector<400x256xf32> to vector<400x128xf32>
    %neg3A_508 = arith.constant 0.000000e+00 : f32
    %neg3A_509 = vector.broadcast %neg3A_508 : f32 to vector<400x128xf32>
    %neg3A_510 = arith.subf %neg3A_509, %slice3A_506 : vector<400x128xf32>
    %exp3A_511 = math.exp %neg3A_510 : vector<400x128xf32>
    %add3A_512 = arith.constant 1.000000e+00 : f32
    %add3A_513 = vector.broadcast %add3A_512 : f32 to vector<400x128xf32>
    %add3A_514 = arith.addf %add3A_513, %exp3A_511 : vector<400x128xf32>
    %div3A_515 = arith.constant 1.000000e+00 : f32
    %div3A_516 = vector.broadcast %div3A_515 : f32 to vector<400x128xf32>
    %div3A_517 = arith.divf %div3A_516, %add3A_514 : vector<400x128xf32>
    %max3A_518 = arith.constant 0.000000e+00 : f32
    %max3A_519 = vector.broadcast %max3A_518 : f32 to vector<400x128xf32>
    %max3A_520 = arith.maximumf %slice3A_507, %max3A_519 : vector<400x128xf32>
    %abs3A_521 = math.absf %slice3A_507 : vector<400x128xf32>
    %neg3A_522 = arith.constant 0.000000e+00 : f32
    %neg3A_523 = vector.broadcast %neg3A_522 : f32 to vector<400x128xf32>
    %neg3A_524 = arith.subf %neg3A_523, %abs3A_521 : vector<400x128xf32>
    %exp3A_525 = math.exp %neg3A_524 : vector<400x128xf32>
    %log1p3A_526 = math.log1p %exp3A_525 : vector<400x128xf32>
    %add3A_527 = arith.addf %max3A_520, %log1p3A_526 : vector<400x128xf32>
    %mul3A_528 = arith.mulf %div3A_517, %add3A_527 : vector<400x128xf32>
    %add3A_529 = arith.addf %add3A_499, %mul3A_528 : vector<400x128xf32>
    %slice3A_530 = vector.extract_strided_slice %add3A_54 {offsets = [0, 16, 0], sizes = [400, 1, 256], strides = [1, 1, 1]} : vector<400x32x256xf32> to vector<400x1x256xf32>
    %squeeze3A_531 = vector.shape_cast %slice3A_530 : vector<400x1x256xf32> to vector<400x256xf32>
    %mul3A_532 = vector.broadcast %mul3A_15 : vector<1x256xf32> to vector<400x256xf32>
    %mul3A_533 = arith.mulf %squeeze3A_531, %mul3A_532 : vector<400x256xf32>
    %add3A_534 = vector.broadcast %sub3A_20 : vector<1x256xf32> to vector<400x256xf32>
    %add3A_535 = arith.addf %mul3A_533, %add3A_534 : vector<400x256xf32>
    %slice3A_536 = vector.extract_strided_slice %add3A_535 {offsets = [0, 0], sizes = [400, 128], strides = [1, 1]} : vector<400x256xf32> to vector<400x128xf32>
    %slice3A_537 = vector.extract_strided_slice %add3A_535 {offsets = [0, 128], sizes = [400, 128], strides = [1, 1]} : vector<400x256xf32> to vector<400x128xf32>
    %neg3A_538 = arith.constant 0.000000e+00 : f32
    %neg3A_539 = vector.broadcast %neg3A_538 : f32 to vector<400x128xf32>
    %neg3A_540 = arith.subf %neg3A_539, %slice3A_536 : vector<400x128xf32>
    %exp3A_541 = math.exp %neg3A_540 : vector<400x128xf32>
    %add3A_542 = arith.constant 1.000000e+00 : f32
    %add3A_543 = vector.broadcast %add3A_542 : f32 to vector<400x128xf32>
    %add3A_544 = arith.addf %add3A_543, %exp3A_541 : vector<400x128xf32>
    %div3A_545 = arith.constant 1.000000e+00 : f32
    %div3A_546 = vector.broadcast %div3A_545 : f32 to vector<400x128xf32>
    %div3A_547 = arith.divf %div3A_546, %add3A_544 : vector<400x128xf32>
    %max3A_548 = arith.constant 0.000000e+00 : f32
    %max3A_549 = vector.broadcast %max3A_548 : f32 to vector<400x128xf32>
    %max3A_550 = arith.maximumf %slice3A_537, %max3A_549 : vector<400x128xf32>
    %abs3A_551 = math.absf %slice3A_537 : vector<400x128xf32>
    %neg3A_552 = arith.constant 0.000000e+00 : f32
    %neg3A_553 = vector.broadcast %neg3A_552 : f32 to vector<400x128xf32>
    %neg3A_554 = arith.subf %neg3A_553, %abs3A_551 : vector<400x128xf32>
    %exp3A_555 = math.exp %neg3A_554 : vector<400x128xf32>
    %log1p3A_556 = math.log1p %exp3A_555 : vector<400x128xf32>
    %add3A_557 = arith.addf %max3A_550, %log1p3A_556 : vector<400x128xf32>
    %mul3A_558 = arith.mulf %div3A_547, %add3A_557 : vector<400x128xf32>
    %add3A_559 = arith.addf %add3A_529, %mul3A_558 : vector<400x128xf32>
    %slice3A_560 = vector.extract_strided_slice %add3A_54 {offsets = [0, 17, 0], sizes = [400, 1, 256], strides = [1, 1, 1]} : vector<400x32x256xf32> to vector<400x1x256xf32>
    %squeeze3A_561 = vector.shape_cast %slice3A_560 : vector<400x1x256xf32> to vector<400x256xf32>
    %mul3A_562 = vector.broadcast %mul3A_15 : vector<1x256xf32> to vector<400x256xf32>
    %mul3A_563 = arith.mulf %squeeze3A_561, %mul3A_562 : vector<400x256xf32>
    %add3A_564 = vector.broadcast %sub3A_20 : vector<1x256xf32> to vector<400x256xf32>
    %add3A_565 = arith.addf %mul3A_563, %add3A_564 : vector<400x256xf32>
    %slice3A_566 = vector.extract_strided_slice %add3A_565 {offsets = [0, 0], sizes = [400, 128], strides = [1, 1]} : vector<400x256xf32> to vector<400x128xf32>
    %slice3A_567 = vector.extract_strided_slice %add3A_565 {offsets = [0, 128], sizes = [400, 128], strides = [1, 1]} : vector<400x256xf32> to vector<400x128xf32>
    %neg3A_568 = arith.constant 0.000000e+00 : f32
    %neg3A_569 = vector.broadcast %neg3A_568 : f32 to vector<400x128xf32>
    %neg3A_570 = arith.subf %neg3A_569, %slice3A_566 : vector<400x128xf32>
    %exp3A_571 = math.exp %neg3A_570 : vector<400x128xf32>
    %add3A_572 = arith.constant 1.000000e+00 : f32
    %add3A_573 = vector.broadcast %add3A_572 : f32 to vector<400x128xf32>
    %add3A_574 = arith.addf %add3A_573, %exp3A_571 : vector<400x128xf32>
    %div3A_575 = arith.constant 1.000000e+00 : f32
    %div3A_576 = vector.broadcast %div3A_575 : f32 to vector<400x128xf32>
    %div3A_577 = arith.divf %div3A_576, %add3A_574 : vector<400x128xf32>
    %max3A_578 = arith.constant 0.000000e+00 : f32
    %max3A_579 = vector.broadcast %max3A_578 : f32 to vector<400x128xf32>
    %max3A_580 = arith.maximumf %slice3A_567, %max3A_579 : vector<400x128xf32>
    %abs3A_581 = math.absf %slice3A_567 : vector<400x128xf32>
    %neg3A_582 = arith.constant 0.000000e+00 : f32
    %neg3A_583 = vector.broadcast %neg3A_582 : f32 to vector<400x128xf32>
    %neg3A_584 = arith.subf %neg3A_583, %abs3A_581 : vector<400x128xf32>
    %exp3A_585 = math.exp %neg3A_584 : vector<400x128xf32>
    %log1p3A_586 = math.log1p %exp3A_585 : vector<400x128xf32>
    %add3A_587 = arith.addf %max3A_580, %log1p3A_586 : vector<400x128xf32>
    %mul3A_588 = arith.mulf %div3A_577, %add3A_587 : vector<400x128xf32>
    %add3A_589 = arith.addf %add3A_559, %mul3A_588 : vector<400x128xf32>
    %slice3A_590 = vector.extract_strided_slice %add3A_54 {offsets = [0, 18, 0], sizes = [400, 1, 256], strides = [1, 1, 1]} : vector<400x32x256xf32> to vector<400x1x256xf32>
    %squeeze3A_591 = vector.shape_cast %slice3A_590 : vector<400x1x256xf32> to vector<400x256xf32>
    %mul3A_592 = vector.broadcast %mul3A_15 : vector<1x256xf32> to vector<400x256xf32>
    %mul3A_593 = arith.mulf %squeeze3A_591, %mul3A_592 : vector<400x256xf32>
    %add3A_594 = vector.broadcast %sub3A_20 : vector<1x256xf32> to vector<400x256xf32>
    %add3A_595 = arith.addf %mul3A_593, %add3A_594 : vector<400x256xf32>
    %slice3A_596 = vector.extract_strided_slice %add3A_595 {offsets = [0, 0], sizes = [400, 128], strides = [1, 1]} : vector<400x256xf32> to vector<400x128xf32>
    %slice3A_597 = vector.extract_strided_slice %add3A_595 {offsets = [0, 128], sizes = [400, 128], strides = [1, 1]} : vector<400x256xf32> to vector<400x128xf32>
    %neg3A_598 = arith.constant 0.000000e+00 : f32
    %neg3A_599 = vector.broadcast %neg3A_598 : f32 to vector<400x128xf32>
    %neg3A_600 = arith.subf %neg3A_599, %slice3A_596 : vector<400x128xf32>
    %exp3A_601 = math.exp %neg3A_600 : vector<400x128xf32>
    %add3A_602 = arith.constant 1.000000e+00 : f32
    %add3A_603 = vector.broadcast %add3A_602 : f32 to vector<400x128xf32>
    %add3A_604 = arith.addf %add3A_603, %exp3A_601 : vector<400x128xf32>
    %div3A_605 = arith.constant 1.000000e+00 : f32
    %div3A_606 = vector.broadcast %div3A_605 : f32 to vector<400x128xf32>
    %div3A_607 = arith.divf %div3A_606, %add3A_604 : vector<400x128xf32>
    %max3A_608 = arith.constant 0.000000e+00 : f32
    %max3A_609 = vector.broadcast %max3A_608 : f32 to vector<400x128xf32>
    %max3A_610 = arith.maximumf %slice3A_597, %max3A_609 : vector<400x128xf32>
    %abs3A_611 = math.absf %slice3A_597 : vector<400x128xf32>
    %neg3A_612 = arith.constant 0.000000e+00 : f32
    %neg3A_613 = vector.broadcast %neg3A_612 : f32 to vector<400x128xf32>
    %neg3A_614 = arith.subf %neg3A_613, %abs3A_611 : vector<400x128xf32>
    %exp3A_615 = math.exp %neg3A_614 : vector<400x128xf32>
    %log1p3A_616 = math.log1p %exp3A_615 : vector<400x128xf32>
    %add3A_617 = arith.addf %max3A_610, %log1p3A_616 : vector<400x128xf32>
    %mul3A_618 = arith.mulf %div3A_607, %add3A_617 : vector<400x128xf32>
    %add3A_619 = arith.addf %add3A_589, %mul3A_618 : vector<400x128xf32>
    %slice3A_620 = vector.extract_strided_slice %add3A_54 {offsets = [0, 19, 0], sizes = [400, 1, 256], strides = [1, 1, 1]} : vector<400x32x256xf32> to vector<400x1x256xf32>
    %squeeze3A_621 = vector.shape_cast %slice3A_620 : vector<400x1x256xf32> to vector<400x256xf32>
    %mul3A_622 = vector.broadcast %mul3A_15 : vector<1x256xf32> to vector<400x256xf32>
    %mul3A_623 = arith.mulf %squeeze3A_621, %mul3A_622 : vector<400x256xf32>
    %add3A_624 = vector.broadcast %sub3A_20 : vector<1x256xf32> to vector<400x256xf32>
    %add3A_625 = arith.addf %mul3A_623, %add3A_624 : vector<400x256xf32>
    %slice3A_626 = vector.extract_strided_slice %add3A_625 {offsets = [0, 0], sizes = [400, 128], strides = [1, 1]} : vector<400x256xf32> to vector<400x128xf32>
    %slice3A_627 = vector.extract_strided_slice %add3A_625 {offsets = [0, 128], sizes = [400, 128], strides = [1, 1]} : vector<400x256xf32> to vector<400x128xf32>
    %neg3A_628 = arith.constant 0.000000e+00 : f32
    %neg3A_629 = vector.broadcast %neg3A_628 : f32 to vector<400x128xf32>
    %neg3A_630 = arith.subf %neg3A_629, %slice3A_626 : vector<400x128xf32>
    %exp3A_631 = math.exp %neg3A_630 : vector<400x128xf32>
    %add3A_632 = arith.constant 1.000000e+00 : f32
    %add3A_633 = vector.broadcast %add3A_632 : f32 to vector<400x128xf32>
    %add3A_634 = arith.addf %add3A_633, %exp3A_631 : vector<400x128xf32>
    %div3A_635 = arith.constant 1.000000e+00 : f32
    %div3A_636 = vector.broadcast %div3A_635 : f32 to vector<400x128xf32>
    %div3A_637 = arith.divf %div3A_636, %add3A_634 : vector<400x128xf32>
    %max3A_638 = arith.constant 0.000000e+00 : f32
    %max3A_639 = vector.broadcast %max3A_638 : f32 to vector<400x128xf32>
    %max3A_640 = arith.maximumf %slice3A_627, %max3A_639 : vector<400x128xf32>
    %abs3A_641 = math.absf %slice3A_627 : vector<400x128xf32>
    %neg3A_642 = arith.constant 0.000000e+00 : f32
    %neg3A_643 = vector.broadcast %neg3A_642 : f32 to vector<400x128xf32>
    %neg3A_644 = arith.subf %neg3A_643, %abs3A_641 : vector<400x128xf32>
    %exp3A_645 = math.exp %neg3A_644 : vector<400x128xf32>
    %log1p3A_646 = math.log1p %exp3A_645 : vector<400x128xf32>
    %add3A_647 = arith.addf %max3A_640, %log1p3A_646 : vector<400x128xf32>
    %mul3A_648 = arith.mulf %div3A_637, %add3A_647 : vector<400x128xf32>
    %add3A_649 = arith.addf %add3A_619, %mul3A_648 : vector<400x128xf32>
    %slice3A_650 = vector.extract_strided_slice %add3A_54 {offsets = [0, 20, 0], sizes = [400, 1, 256], strides = [1, 1, 1]} : vector<400x32x256xf32> to vector<400x1x256xf32>
    %squeeze3A_651 = vector.shape_cast %slice3A_650 : vector<400x1x256xf32> to vector<400x256xf32>
    %mul3A_652 = vector.broadcast %mul3A_15 : vector<1x256xf32> to vector<400x256xf32>
    %mul3A_653 = arith.mulf %squeeze3A_651, %mul3A_652 : vector<400x256xf32>
    %add3A_654 = vector.broadcast %sub3A_20 : vector<1x256xf32> to vector<400x256xf32>
    %add3A_655 = arith.addf %mul3A_653, %add3A_654 : vector<400x256xf32>
    %slice3A_656 = vector.extract_strided_slice %add3A_655 {offsets = [0, 0], sizes = [400, 128], strides = [1, 1]} : vector<400x256xf32> to vector<400x128xf32>
    %slice3A_657 = vector.extract_strided_slice %add3A_655 {offsets = [0, 128], sizes = [400, 128], strides = [1, 1]} : vector<400x256xf32> to vector<400x128xf32>
    %neg3A_658 = arith.constant 0.000000e+00 : f32
    %neg3A_659 = vector.broadcast %neg3A_658 : f32 to vector<400x128xf32>
    %neg3A_660 = arith.subf %neg3A_659, %slice3A_656 : vector<400x128xf32>
    %exp3A_661 = math.exp %neg3A_660 : vector<400x128xf32>
    %add3A_662 = arith.constant 1.000000e+00 : f32
    %add3A_663 = vector.broadcast %add3A_662 : f32 to vector<400x128xf32>
    %add3A_664 = arith.addf %add3A_663, %exp3A_661 : vector<400x128xf32>
    %div3A_665 = arith.constant 1.000000e+00 : f32
    %div3A_666 = vector.broadcast %div3A_665 : f32 to vector<400x128xf32>
    %div3A_667 = arith.divf %div3A_666, %add3A_664 : vector<400x128xf32>
    %max3A_668 = arith.constant 0.000000e+00 : f32
    %max3A_669 = vector.broadcast %max3A_668 : f32 to vector<400x128xf32>
    %max3A_670 = arith.maximumf %slice3A_657, %max3A_669 : vector<400x128xf32>
    %abs3A_671 = math.absf %slice3A_657 : vector<400x128xf32>
    %neg3A_672 = arith.constant 0.000000e+00 : f32
    %neg3A_673 = vector.broadcast %neg3A_672 : f32 to vector<400x128xf32>
    %neg3A_674 = arith.subf %neg3A_673, %abs3A_671 : vector<400x128xf32>
    %exp3A_675 = math.exp %neg3A_674 : vector<400x128xf32>
    %log1p3A_676 = math.log1p %exp3A_675 : vector<400x128xf32>
    %add3A_677 = arith.addf %max3A_670, %log1p3A_676 : vector<400x128xf32>
    %mul3A_678 = arith.mulf %div3A_667, %add3A_677 : vector<400x128xf32>
    %add3A_679 = arith.addf %add3A_649, %mul3A_678 : vector<400x128xf32>
    %slice3A_680 = vector.extract_strided_slice %add3A_54 {offsets = [0, 21, 0], sizes = [400, 1, 256], strides = [1, 1, 1]} : vector<400x32x256xf32> to vector<400x1x256xf32>
    %squeeze3A_681 = vector.shape_cast %slice3A_680 : vector<400x1x256xf32> to vector<400x256xf32>
    %mul3A_682 = vector.broadcast %mul3A_15 : vector<1x256xf32> to vector<400x256xf32>
    %mul3A_683 = arith.mulf %squeeze3A_681, %mul3A_682 : vector<400x256xf32>
    %add3A_684 = vector.broadcast %sub3A_20 : vector<1x256xf32> to vector<400x256xf32>
    %add3A_685 = arith.addf %mul3A_683, %add3A_684 : vector<400x256xf32>
    %slice3A_686 = vector.extract_strided_slice %add3A_685 {offsets = [0, 0], sizes = [400, 128], strides = [1, 1]} : vector<400x256xf32> to vector<400x128xf32>
    %slice3A_687 = vector.extract_strided_slice %add3A_685 {offsets = [0, 128], sizes = [400, 128], strides = [1, 1]} : vector<400x256xf32> to vector<400x128xf32>
    %neg3A_688 = arith.constant 0.000000e+00 : f32
    %neg3A_689 = vector.broadcast %neg3A_688 : f32 to vector<400x128xf32>
    %neg3A_690 = arith.subf %neg3A_689, %slice3A_686 : vector<400x128xf32>
    %exp3A_691 = math.exp %neg3A_690 : vector<400x128xf32>
    %add3A_692 = arith.constant 1.000000e+00 : f32
    %add3A_693 = vector.broadcast %add3A_692 : f32 to vector<400x128xf32>
    %add3A_694 = arith.addf %add3A_693, %exp3A_691 : vector<400x128xf32>
    %div3A_695 = arith.constant 1.000000e+00 : f32
    %div3A_696 = vector.broadcast %div3A_695 : f32 to vector<400x128xf32>
    %div3A_697 = arith.divf %div3A_696, %add3A_694 : vector<400x128xf32>
    %max3A_698 = arith.constant 0.000000e+00 : f32
    %max3A_699 = vector.broadcast %max3A_698 : f32 to vector<400x128xf32>
    %max3A_700 = arith.maximumf %slice3A_687, %max3A_699 : vector<400x128xf32>
    %abs3A_701 = math.absf %slice3A_687 : vector<400x128xf32>
    %neg3A_702 = arith.constant 0.000000e+00 : f32
    %neg3A_703 = vector.broadcast %neg3A_702 : f32 to vector<400x128xf32>
    %neg3A_704 = arith.subf %neg3A_703, %abs3A_701 : vector<400x128xf32>
    %exp3A_705 = math.exp %neg3A_704 : vector<400x128xf32>
    %log1p3A_706 = math.log1p %exp3A_705 : vector<400x128xf32>
    %add3A_707 = arith.addf %max3A_700, %log1p3A_706 : vector<400x128xf32>
    %mul3A_708 = arith.mulf %div3A_697, %add3A_707 : vector<400x128xf32>
    %add3A_709 = arith.addf %add3A_679, %mul3A_708 : vector<400x128xf32>
    %slice3A_710 = vector.extract_strided_slice %add3A_54 {offsets = [0, 22, 0], sizes = [400, 1, 256], strides = [1, 1, 1]} : vector<400x32x256xf32> to vector<400x1x256xf32>
    %squeeze3A_711 = vector.shape_cast %slice3A_710 : vector<400x1x256xf32> to vector<400x256xf32>
    %mul3A_712 = vector.broadcast %mul3A_15 : vector<1x256xf32> to vector<400x256xf32>
    %mul3A_713 = arith.mulf %squeeze3A_711, %mul3A_712 : vector<400x256xf32>
    %add3A_714 = vector.broadcast %sub3A_20 : vector<1x256xf32> to vector<400x256xf32>
    %add3A_715 = arith.addf %mul3A_713, %add3A_714 : vector<400x256xf32>
    %slice3A_716 = vector.extract_strided_slice %add3A_715 {offsets = [0, 0], sizes = [400, 128], strides = [1, 1]} : vector<400x256xf32> to vector<400x128xf32>
    %slice3A_717 = vector.extract_strided_slice %add3A_715 {offsets = [0, 128], sizes = [400, 128], strides = [1, 1]} : vector<400x256xf32> to vector<400x128xf32>
    %neg3A_718 = arith.constant 0.000000e+00 : f32
    %neg3A_719 = vector.broadcast %neg3A_718 : f32 to vector<400x128xf32>
    %neg3A_720 = arith.subf %neg3A_719, %slice3A_716 : vector<400x128xf32>
    %exp3A_721 = math.exp %neg3A_720 : vector<400x128xf32>
    %add3A_722 = arith.constant 1.000000e+00 : f32
    %add3A_723 = vector.broadcast %add3A_722 : f32 to vector<400x128xf32>
    %add3A_724 = arith.addf %add3A_723, %exp3A_721 : vector<400x128xf32>
    %div3A_725 = arith.constant 1.000000e+00 : f32
    %div3A_726 = vector.broadcast %div3A_725 : f32 to vector<400x128xf32>
    %div3A_727 = arith.divf %div3A_726, %add3A_724 : vector<400x128xf32>
    %max3A_728 = arith.constant 0.000000e+00 : f32
    %max3A_729 = vector.broadcast %max3A_728 : f32 to vector<400x128xf32>
    %max3A_730 = arith.maximumf %slice3A_717, %max3A_729 : vector<400x128xf32>
    %abs3A_731 = math.absf %slice3A_717 : vector<400x128xf32>
    %neg3A_732 = arith.constant 0.000000e+00 : f32
    %neg3A_733 = vector.broadcast %neg3A_732 : f32 to vector<400x128xf32>
    %neg3A_734 = arith.subf %neg3A_733, %abs3A_731 : vector<400x128xf32>
    %exp3A_735 = math.exp %neg3A_734 : vector<400x128xf32>
    %log1p3A_736 = math.log1p %exp3A_735 : vector<400x128xf32>
    %add3A_737 = arith.addf %max3A_730, %log1p3A_736 : vector<400x128xf32>
    %mul3A_738 = arith.mulf %div3A_727, %add3A_737 : vector<400x128xf32>
    %add3A_739 = arith.addf %add3A_709, %mul3A_738 : vector<400x128xf32>
    %slice3A_740 = vector.extract_strided_slice %add3A_54 {offsets = [0, 23, 0], sizes = [400, 1, 256], strides = [1, 1, 1]} : vector<400x32x256xf32> to vector<400x1x256xf32>
    %squeeze3A_741 = vector.shape_cast %slice3A_740 : vector<400x1x256xf32> to vector<400x256xf32>
    %mul3A_742 = vector.broadcast %mul3A_15 : vector<1x256xf32> to vector<400x256xf32>
    %mul3A_743 = arith.mulf %squeeze3A_741, %mul3A_742 : vector<400x256xf32>
    %add3A_744 = vector.broadcast %sub3A_20 : vector<1x256xf32> to vector<400x256xf32>
    %add3A_745 = arith.addf %mul3A_743, %add3A_744 : vector<400x256xf32>
    %slice3A_746 = vector.extract_strided_slice %add3A_745 {offsets = [0, 0], sizes = [400, 128], strides = [1, 1]} : vector<400x256xf32> to vector<400x128xf32>
    %slice3A_747 = vector.extract_strided_slice %add3A_745 {offsets = [0, 128], sizes = [400, 128], strides = [1, 1]} : vector<400x256xf32> to vector<400x128xf32>
    %neg3A_748 = arith.constant 0.000000e+00 : f32
    %neg3A_749 = vector.broadcast %neg3A_748 : f32 to vector<400x128xf32>
    %neg3A_750 = arith.subf %neg3A_749, %slice3A_746 : vector<400x128xf32>
    %exp3A_751 = math.exp %neg3A_750 : vector<400x128xf32>
    %add3A_752 = arith.constant 1.000000e+00 : f32
    %add3A_753 = vector.broadcast %add3A_752 : f32 to vector<400x128xf32>
    %add3A_754 = arith.addf %add3A_753, %exp3A_751 : vector<400x128xf32>
    %div3A_755 = arith.constant 1.000000e+00 : f32
    %div3A_756 = vector.broadcast %div3A_755 : f32 to vector<400x128xf32>
    %div3A_757 = arith.divf %div3A_756, %add3A_754 : vector<400x128xf32>
    %max3A_758 = arith.constant 0.000000e+00 : f32
    %max3A_759 = vector.broadcast %max3A_758 : f32 to vector<400x128xf32>
    %max3A_760 = arith.maximumf %slice3A_747, %max3A_759 : vector<400x128xf32>
    %abs3A_761 = math.absf %slice3A_747 : vector<400x128xf32>
    %neg3A_762 = arith.constant 0.000000e+00 : f32
    %neg3A_763 = vector.broadcast %neg3A_762 : f32 to vector<400x128xf32>
    %neg3A_764 = arith.subf %neg3A_763, %abs3A_761 : vector<400x128xf32>
    %exp3A_765 = math.exp %neg3A_764 : vector<400x128xf32>
    %log1p3A_766 = math.log1p %exp3A_765 : vector<400x128xf32>
    %add3A_767 = arith.addf %max3A_760, %log1p3A_766 : vector<400x128xf32>
    %mul3A_768 = arith.mulf %div3A_757, %add3A_767 : vector<400x128xf32>
    %add3A_769 = arith.addf %add3A_739, %mul3A_768 : vector<400x128xf32>
    %slice3A_770 = vector.extract_strided_slice %add3A_54 {offsets = [0, 24, 0], sizes = [400, 1, 256], strides = [1, 1, 1]} : vector<400x32x256xf32> to vector<400x1x256xf32>
    %squeeze3A_771 = vector.shape_cast %slice3A_770 : vector<400x1x256xf32> to vector<400x256xf32>
    %mul3A_772 = vector.broadcast %mul3A_15 : vector<1x256xf32> to vector<400x256xf32>
    %mul3A_773 = arith.mulf %squeeze3A_771, %mul3A_772 : vector<400x256xf32>
    %add3A_774 = vector.broadcast %sub3A_20 : vector<1x256xf32> to vector<400x256xf32>
    %add3A_775 = arith.addf %mul3A_773, %add3A_774 : vector<400x256xf32>
    %slice3A_776 = vector.extract_strided_slice %add3A_775 {offsets = [0, 0], sizes = [400, 128], strides = [1, 1]} : vector<400x256xf32> to vector<400x128xf32>
    %slice3A_777 = vector.extract_strided_slice %add3A_775 {offsets = [0, 128], sizes = [400, 128], strides = [1, 1]} : vector<400x256xf32> to vector<400x128xf32>
    %neg3A_778 = arith.constant 0.000000e+00 : f32
    %neg3A_779 = vector.broadcast %neg3A_778 : f32 to vector<400x128xf32>
    %neg3A_780 = arith.subf %neg3A_779, %slice3A_776 : vector<400x128xf32>
    %exp3A_781 = math.exp %neg3A_780 : vector<400x128xf32>
    %add3A_782 = arith.constant 1.000000e+00 : f32
    %add3A_783 = vector.broadcast %add3A_782 : f32 to vector<400x128xf32>
    %add3A_784 = arith.addf %add3A_783, %exp3A_781 : vector<400x128xf32>
    %div3A_785 = arith.constant 1.000000e+00 : f32
    %div3A_786 = vector.broadcast %div3A_785 : f32 to vector<400x128xf32>
    %div3A_787 = arith.divf %div3A_786, %add3A_784 : vector<400x128xf32>
    %max3A_788 = arith.constant 0.000000e+00 : f32
    %max3A_789 = vector.broadcast %max3A_788 : f32 to vector<400x128xf32>
    %max3A_790 = arith.maximumf %slice3A_777, %max3A_789 : vector<400x128xf32>
    %abs3A_791 = math.absf %slice3A_777 : vector<400x128xf32>
    %neg3A_792 = arith.constant 0.000000e+00 : f32
    %neg3A_793 = vector.broadcast %neg3A_792 : f32 to vector<400x128xf32>
    %neg3A_794 = arith.subf %neg3A_793, %abs3A_791 : vector<400x128xf32>
    %exp3A_795 = math.exp %neg3A_794 : vector<400x128xf32>
    %log1p3A_796 = math.log1p %exp3A_795 : vector<400x128xf32>
    %add3A_797 = arith.addf %max3A_790, %log1p3A_796 : vector<400x128xf32>
    %mul3A_798 = arith.mulf %div3A_787, %add3A_797 : vector<400x128xf32>
    %add3A_799 = arith.addf %add3A_769, %mul3A_798 : vector<400x128xf32>
    %slice3A_800 = vector.extract_strided_slice %add3A_54 {offsets = [0, 25, 0], sizes = [400, 1, 256], strides = [1, 1, 1]} : vector<400x32x256xf32> to vector<400x1x256xf32>
    %squeeze3A_801 = vector.shape_cast %slice3A_800 : vector<400x1x256xf32> to vector<400x256xf32>
    %mul3A_802 = vector.broadcast %mul3A_15 : vector<1x256xf32> to vector<400x256xf32>
    %mul3A_803 = arith.mulf %squeeze3A_801, %mul3A_802 : vector<400x256xf32>
    %add3A_804 = vector.broadcast %sub3A_20 : vector<1x256xf32> to vector<400x256xf32>
    %add3A_805 = arith.addf %mul3A_803, %add3A_804 : vector<400x256xf32>
    %slice3A_806 = vector.extract_strided_slice %add3A_805 {offsets = [0, 0], sizes = [400, 128], strides = [1, 1]} : vector<400x256xf32> to vector<400x128xf32>
    %slice3A_807 = vector.extract_strided_slice %add3A_805 {offsets = [0, 128], sizes = [400, 128], strides = [1, 1]} : vector<400x256xf32> to vector<400x128xf32>
    %neg3A_808 = arith.constant 0.000000e+00 : f32
    %neg3A_809 = vector.broadcast %neg3A_808 : f32 to vector<400x128xf32>
    %neg3A_810 = arith.subf %neg3A_809, %slice3A_806 : vector<400x128xf32>
    %exp3A_811 = math.exp %neg3A_810 : vector<400x128xf32>
    %add3A_812 = arith.constant 1.000000e+00 : f32
    %add3A_813 = vector.broadcast %add3A_812 : f32 to vector<400x128xf32>
    %add3A_814 = arith.addf %add3A_813, %exp3A_811 : vector<400x128xf32>
    %div3A_815 = arith.constant 1.000000e+00 : f32
    %div3A_816 = vector.broadcast %div3A_815 : f32 to vector<400x128xf32>
    %div3A_817 = arith.divf %div3A_816, %add3A_814 : vector<400x128xf32>
    %max3A_818 = arith.constant 0.000000e+00 : f32
    %max3A_819 = vector.broadcast %max3A_818 : f32 to vector<400x128xf32>
    %max3A_820 = arith.maximumf %slice3A_807, %max3A_819 : vector<400x128xf32>
    %abs3A_821 = math.absf %slice3A_807 : vector<400x128xf32>
    %neg3A_822 = arith.constant 0.000000e+00 : f32
    %neg3A_823 = vector.broadcast %neg3A_822 : f32 to vector<400x128xf32>
    %neg3A_824 = arith.subf %neg3A_823, %abs3A_821 : vector<400x128xf32>
    %exp3A_825 = math.exp %neg3A_824 : vector<400x128xf32>
    %log1p3A_826 = math.log1p %exp3A_825 : vector<400x128xf32>
    %add3A_827 = arith.addf %max3A_820, %log1p3A_826 : vector<400x128xf32>
    %mul3A_828 = arith.mulf %div3A_817, %add3A_827 : vector<400x128xf32>
    %add3A_829 = arith.addf %add3A_799, %mul3A_828 : vector<400x128xf32>
    %slice3A_830 = vector.extract_strided_slice %add3A_54 {offsets = [0, 26, 0], sizes = [400, 1, 256], strides = [1, 1, 1]} : vector<400x32x256xf32> to vector<400x1x256xf32>
    %squeeze3A_831 = vector.shape_cast %slice3A_830 : vector<400x1x256xf32> to vector<400x256xf32>
    %mul3A_832 = vector.broadcast %mul3A_15 : vector<1x256xf32> to vector<400x256xf32>
    %mul3A_833 = arith.mulf %squeeze3A_831, %mul3A_832 : vector<400x256xf32>
    %add3A_834 = vector.broadcast %sub3A_20 : vector<1x256xf32> to vector<400x256xf32>
    %add3A_835 = arith.addf %mul3A_833, %add3A_834 : vector<400x256xf32>
    %slice3A_836 = vector.extract_strided_slice %add3A_835 {offsets = [0, 0], sizes = [400, 128], strides = [1, 1]} : vector<400x256xf32> to vector<400x128xf32>
    %slice3A_837 = vector.extract_strided_slice %add3A_835 {offsets = [0, 128], sizes = [400, 128], strides = [1, 1]} : vector<400x256xf32> to vector<400x128xf32>
    %neg3A_838 = arith.constant 0.000000e+00 : f32
    %neg3A_839 = vector.broadcast %neg3A_838 : f32 to vector<400x128xf32>
    %neg3A_840 = arith.subf %neg3A_839, %slice3A_836 : vector<400x128xf32>
    %exp3A_841 = math.exp %neg3A_840 : vector<400x128xf32>
    %add3A_842 = arith.constant 1.000000e+00 : f32
    %add3A_843 = vector.broadcast %add3A_842 : f32 to vector<400x128xf32>
    %add3A_844 = arith.addf %add3A_843, %exp3A_841 : vector<400x128xf32>
    %div3A_845 = arith.constant 1.000000e+00 : f32
    %div3A_846 = vector.broadcast %div3A_845 : f32 to vector<400x128xf32>
    %div3A_847 = arith.divf %div3A_846, %add3A_844 : vector<400x128xf32>
    %max3A_848 = arith.constant 0.000000e+00 : f32
    %max3A_849 = vector.broadcast %max3A_848 : f32 to vector<400x128xf32>
    %max3A_850 = arith.maximumf %slice3A_837, %max3A_849 : vector<400x128xf32>
    %abs3A_851 = math.absf %slice3A_837 : vector<400x128xf32>
    %neg3A_852 = arith.constant 0.000000e+00 : f32
    %neg3A_853 = vector.broadcast %neg3A_852 : f32 to vector<400x128xf32>
    %neg3A_854 = arith.subf %neg3A_853, %abs3A_851 : vector<400x128xf32>
    %exp3A_855 = math.exp %neg3A_854 : vector<400x128xf32>
    %log1p3A_856 = math.log1p %exp3A_855 : vector<400x128xf32>
    %add3A_857 = arith.addf %max3A_850, %log1p3A_856 : vector<400x128xf32>
    %mul3A_858 = arith.mulf %div3A_847, %add3A_857 : vector<400x128xf32>
    %add3A_859 = arith.addf %add3A_829, %mul3A_858 : vector<400x128xf32>
    %slice3A_860 = vector.extract_strided_slice %add3A_54 {offsets = [0, 27, 0], sizes = [400, 1, 256], strides = [1, 1, 1]} : vector<400x32x256xf32> to vector<400x1x256xf32>
    %squeeze3A_861 = vector.shape_cast %slice3A_860 : vector<400x1x256xf32> to vector<400x256xf32>
    %mul3A_862 = vector.broadcast %mul3A_15 : vector<1x256xf32> to vector<400x256xf32>
    %mul3A_863 = arith.mulf %squeeze3A_861, %mul3A_862 : vector<400x256xf32>
    %add3A_864 = vector.broadcast %sub3A_20 : vector<1x256xf32> to vector<400x256xf32>
    %add3A_865 = arith.addf %mul3A_863, %add3A_864 : vector<400x256xf32>
    %slice3A_866 = vector.extract_strided_slice %add3A_865 {offsets = [0, 0], sizes = [400, 128], strides = [1, 1]} : vector<400x256xf32> to vector<400x128xf32>
    %slice3A_867 = vector.extract_strided_slice %add3A_865 {offsets = [0, 128], sizes = [400, 128], strides = [1, 1]} : vector<400x256xf32> to vector<400x128xf32>
    %neg3A_868 = arith.constant 0.000000e+00 : f32
    %neg3A_869 = vector.broadcast %neg3A_868 : f32 to vector<400x128xf32>
    %neg3A_870 = arith.subf %neg3A_869, %slice3A_866 : vector<400x128xf32>
    %exp3A_871 = math.exp %neg3A_870 : vector<400x128xf32>
    %add3A_872 = arith.constant 1.000000e+00 : f32
    %add3A_873 = vector.broadcast %add3A_872 : f32 to vector<400x128xf32>
    %add3A_874 = arith.addf %add3A_873, %exp3A_871 : vector<400x128xf32>
    %div3A_875 = arith.constant 1.000000e+00 : f32
    %div3A_876 = vector.broadcast %div3A_875 : f32 to vector<400x128xf32>
    %div3A_877 = arith.divf %div3A_876, %add3A_874 : vector<400x128xf32>
    %max3A_878 = arith.constant 0.000000e+00 : f32
    %max3A_879 = vector.broadcast %max3A_878 : f32 to vector<400x128xf32>
    %max3A_880 = arith.maximumf %slice3A_867, %max3A_879 : vector<400x128xf32>
    %abs3A_881 = math.absf %slice3A_867 : vector<400x128xf32>
    %neg3A_882 = arith.constant 0.000000e+00 : f32
    %neg3A_883 = vector.broadcast %neg3A_882 : f32 to vector<400x128xf32>
    %neg3A_884 = arith.subf %neg3A_883, %abs3A_881 : vector<400x128xf32>
    %exp3A_885 = math.exp %neg3A_884 : vector<400x128xf32>
    %log1p3A_886 = math.log1p %exp3A_885 : vector<400x128xf32>
    %add3A_887 = arith.addf %max3A_880, %log1p3A_886 : vector<400x128xf32>
    %mul3A_888 = arith.mulf %div3A_877, %add3A_887 : vector<400x128xf32>
    %add3A_889 = arith.addf %add3A_859, %mul3A_888 : vector<400x128xf32>
    %slice3A_890 = vector.extract_strided_slice %add3A_54 {offsets = [0, 28, 0], sizes = [400, 1, 256], strides = [1, 1, 1]} : vector<400x32x256xf32> to vector<400x1x256xf32>
    %squeeze3A_891 = vector.shape_cast %slice3A_890 : vector<400x1x256xf32> to vector<400x256xf32>
    %mul3A_892 = vector.broadcast %mul3A_15 : vector<1x256xf32> to vector<400x256xf32>
    %mul3A_893 = arith.mulf %squeeze3A_891, %mul3A_892 : vector<400x256xf32>
    %add3A_894 = vector.broadcast %sub3A_20 : vector<1x256xf32> to vector<400x256xf32>
    %add3A_895 = arith.addf %mul3A_893, %add3A_894 : vector<400x256xf32>
    %slice3A_896 = vector.extract_strided_slice %add3A_895 {offsets = [0, 0], sizes = [400, 128], strides = [1, 1]} : vector<400x256xf32> to vector<400x128xf32>
    %slice3A_897 = vector.extract_strided_slice %add3A_895 {offsets = [0, 128], sizes = [400, 128], strides = [1, 1]} : vector<400x256xf32> to vector<400x128xf32>
    %neg3A_898 = arith.constant 0.000000e+00 : f32
    %neg3A_899 = vector.broadcast %neg3A_898 : f32 to vector<400x128xf32>
    %neg3A_900 = arith.subf %neg3A_899, %slice3A_896 : vector<400x128xf32>
    %exp3A_901 = math.exp %neg3A_900 : vector<400x128xf32>
    %add3A_902 = arith.constant 1.000000e+00 : f32
    %add3A_903 = vector.broadcast %add3A_902 : f32 to vector<400x128xf32>
    %add3A_904 = arith.addf %add3A_903, %exp3A_901 : vector<400x128xf32>
    %div3A_905 = arith.constant 1.000000e+00 : f32
    %div3A_906 = vector.broadcast %div3A_905 : f32 to vector<400x128xf32>
    %div3A_907 = arith.divf %div3A_906, %add3A_904 : vector<400x128xf32>
    %max3A_908 = arith.constant 0.000000e+00 : f32
    %max3A_909 = vector.broadcast %max3A_908 : f32 to vector<400x128xf32>
    %max3A_910 = arith.maximumf %slice3A_897, %max3A_909 : vector<400x128xf32>
    %abs3A_911 = math.absf %slice3A_897 : vector<400x128xf32>
    %neg3A_912 = arith.constant 0.000000e+00 : f32
    %neg3A_913 = vector.broadcast %neg3A_912 : f32 to vector<400x128xf32>
    %neg3A_914 = arith.subf %neg3A_913, %abs3A_911 : vector<400x128xf32>
    %exp3A_915 = math.exp %neg3A_914 : vector<400x128xf32>
    %log1p3A_916 = math.log1p %exp3A_915 : vector<400x128xf32>
    %add3A_917 = arith.addf %max3A_910, %log1p3A_916 : vector<400x128xf32>
    %mul3A_918 = arith.mulf %div3A_907, %add3A_917 : vector<400x128xf32>
    %add3A_919 = arith.addf %add3A_889, %mul3A_918 : vector<400x128xf32>
    %slice3A_920 = vector.extract_strided_slice %add3A_54 {offsets = [0, 29, 0], sizes = [400, 1, 256], strides = [1, 1, 1]} : vector<400x32x256xf32> to vector<400x1x256xf32>
    %squeeze3A_921 = vector.shape_cast %slice3A_920 : vector<400x1x256xf32> to vector<400x256xf32>
    %mul3A_922 = vector.broadcast %mul3A_15 : vector<1x256xf32> to vector<400x256xf32>
    %mul3A_923 = arith.mulf %squeeze3A_921, %mul3A_922 : vector<400x256xf32>
    %add3A_924 = vector.broadcast %sub3A_20 : vector<1x256xf32> to vector<400x256xf32>
    %add3A_925 = arith.addf %mul3A_923, %add3A_924 : vector<400x256xf32>
    %slice3A_926 = vector.extract_strided_slice %add3A_925 {offsets = [0, 0], sizes = [400, 128], strides = [1, 1]} : vector<400x256xf32> to vector<400x128xf32>
    %slice3A_927 = vector.extract_strided_slice %add3A_925 {offsets = [0, 128], sizes = [400, 128], strides = [1, 1]} : vector<400x256xf32> to vector<400x128xf32>
    %neg3A_928 = arith.constant 0.000000e+00 : f32
    %neg3A_929 = vector.broadcast %neg3A_928 : f32 to vector<400x128xf32>
    %neg3A_930 = arith.subf %neg3A_929, %slice3A_926 : vector<400x128xf32>
    %exp3A_931 = math.exp %neg3A_930 : vector<400x128xf32>
    %add3A_932 = arith.constant 1.000000e+00 : f32
    %add3A_933 = vector.broadcast %add3A_932 : f32 to vector<400x128xf32>
    %add3A_934 = arith.addf %add3A_933, %exp3A_931 : vector<400x128xf32>
    %div3A_935 = arith.constant 1.000000e+00 : f32
    %div3A_936 = vector.broadcast %div3A_935 : f32 to vector<400x128xf32>
    %div3A_937 = arith.divf %div3A_936, %add3A_934 : vector<400x128xf32>
    %max3A_938 = arith.constant 0.000000e+00 : f32
    %max3A_939 = vector.broadcast %max3A_938 : f32 to vector<400x128xf32>
    %max3A_940 = arith.maximumf %slice3A_927, %max3A_939 : vector<400x128xf32>
    %abs3A_941 = math.absf %slice3A_927 : vector<400x128xf32>
    %neg3A_942 = arith.constant 0.000000e+00 : f32
    %neg3A_943 = vector.broadcast %neg3A_942 : f32 to vector<400x128xf32>
    %neg3A_944 = arith.subf %neg3A_943, %abs3A_941 : vector<400x128xf32>
    %exp3A_945 = math.exp %neg3A_944 : vector<400x128xf32>
    %log1p3A_946 = math.log1p %exp3A_945 : vector<400x128xf32>
    %add3A_947 = arith.addf %max3A_940, %log1p3A_946 : vector<400x128xf32>
    %mul3A_948 = arith.mulf %div3A_937, %add3A_947 : vector<400x128xf32>
    %add3A_949 = arith.addf %add3A_919, %mul3A_948 : vector<400x128xf32>
    %slice3A_950 = vector.extract_strided_slice %add3A_54 {offsets = [0, 30, 0], sizes = [400, 1, 256], strides = [1, 1, 1]} : vector<400x32x256xf32> to vector<400x1x256xf32>
    %squeeze3A_951 = vector.shape_cast %slice3A_950 : vector<400x1x256xf32> to vector<400x256xf32>
    %mul3A_952 = vector.broadcast %mul3A_15 : vector<1x256xf32> to vector<400x256xf32>
    %mul3A_953 = arith.mulf %squeeze3A_951, %mul3A_952 : vector<400x256xf32>
    %add3A_954 = vector.broadcast %sub3A_20 : vector<1x256xf32> to vector<400x256xf32>
    %add3A_955 = arith.addf %mul3A_953, %add3A_954 : vector<400x256xf32>
    %slice3A_956 = vector.extract_strided_slice %add3A_955 {offsets = [0, 0], sizes = [400, 128], strides = [1, 1]} : vector<400x256xf32> to vector<400x128xf32>
    %slice3A_957 = vector.extract_strided_slice %add3A_955 {offsets = [0, 128], sizes = [400, 128], strides = [1, 1]} : vector<400x256xf32> to vector<400x128xf32>
    %neg3A_958 = arith.constant 0.000000e+00 : f32
    %neg3A_959 = vector.broadcast %neg3A_958 : f32 to vector<400x128xf32>
    %neg3A_960 = arith.subf %neg3A_959, %slice3A_956 : vector<400x128xf32>
    %exp3A_961 = math.exp %neg3A_960 : vector<400x128xf32>
    %add3A_962 = arith.constant 1.000000e+00 : f32
    %add3A_963 = vector.broadcast %add3A_962 : f32 to vector<400x128xf32>
    %add3A_964 = arith.addf %add3A_963, %exp3A_961 : vector<400x128xf32>
    %div3A_965 = arith.constant 1.000000e+00 : f32
    %div3A_966 = vector.broadcast %div3A_965 : f32 to vector<400x128xf32>
    %div3A_967 = arith.divf %div3A_966, %add3A_964 : vector<400x128xf32>
    %max3A_968 = arith.constant 0.000000e+00 : f32
    %max3A_969 = vector.broadcast %max3A_968 : f32 to vector<400x128xf32>
    %max3A_970 = arith.maximumf %slice3A_957, %max3A_969 : vector<400x128xf32>
    %abs3A_971 = math.absf %slice3A_957 : vector<400x128xf32>
    %neg3A_972 = arith.constant 0.000000e+00 : f32
    %neg3A_973 = vector.broadcast %neg3A_972 : f32 to vector<400x128xf32>
    %neg3A_974 = arith.subf %neg3A_973, %abs3A_971 : vector<400x128xf32>
    %exp3A_975 = math.exp %neg3A_974 : vector<400x128xf32>
    %log1p3A_976 = math.log1p %exp3A_975 : vector<400x128xf32>
    %add3A_977 = arith.addf %max3A_970, %log1p3A_976 : vector<400x128xf32>
    %mul3A_978 = arith.mulf %div3A_967, %add3A_977 : vector<400x128xf32>
    %add3A_979 = arith.addf %add3A_949, %mul3A_978 : vector<400x128xf32>
    %slice3A_980 = vector.extract_strided_slice %add3A_54 {offsets = [0, 31, 0], sizes = [400, 1, 256], strides = [1, 1, 1]} : vector<400x32x256xf32> to vector<400x1x256xf32>
    %squeeze3A_981 = vector.shape_cast %slice3A_980 : vector<400x1x256xf32> to vector<400x256xf32>
    %mul3A_982 = vector.broadcast %mul3A_15 : vector<1x256xf32> to vector<400x256xf32>
    %mul3A_983 = arith.mulf %squeeze3A_981, %mul3A_982 : vector<400x256xf32>
    %add3A_984 = vector.broadcast %sub3A_20 : vector<1x256xf32> to vector<400x256xf32>
    %add3A_985 = arith.addf %mul3A_983, %add3A_984 : vector<400x256xf32>
    %slice3A_986 = vector.extract_strided_slice %add3A_985 {offsets = [0, 0], sizes = [400, 128], strides = [1, 1]} : vector<400x256xf32> to vector<400x128xf32>
    %slice3A_987 = vector.extract_strided_slice %add3A_985 {offsets = [0, 128], sizes = [400, 128], strides = [1, 1]} : vector<400x256xf32> to vector<400x128xf32>
    %neg3A_988 = arith.constant 0.000000e+00 : f32
    %neg3A_989 = vector.broadcast %neg3A_988 : f32 to vector<400x128xf32>
    %neg3A_990 = arith.subf %neg3A_989, %slice3A_986 : vector<400x128xf32>
    %exp3A_991 = math.exp %neg3A_990 : vector<400x128xf32>
    %add3A_992 = arith.constant 1.000000e+00 : f32
    %add3A_993 = vector.broadcast %add3A_992 : f32 to vector<400x128xf32>
    %add3A_994 = arith.addf %add3A_993, %exp3A_991 : vector<400x128xf32>
    %div3A_995 = arith.constant 1.000000e+00 : f32
    %div3A_996 = vector.broadcast %div3A_995 : f32 to vector<400x128xf32>
    %div3A_997 = arith.divf %div3A_996, %add3A_994 : vector<400x128xf32>
    %max3A_998 = arith.constant 0.000000e+00 : f32
    %max3A_999 = vector.broadcast %max3A_998 : f32 to vector<400x128xf32>
    %max3A_1000 = arith.maximumf %slice3A_987, %max3A_999 : vector<400x128xf32>
    %abs3A_1001 = math.absf %slice3A_987 : vector<400x128xf32>
    %neg3A_1002 = arith.constant 0.000000e+00 : f32
    %neg3A_1003 = vector.broadcast %neg3A_1002 : f32 to vector<400x128xf32>
    %neg3A_1004 = arith.subf %neg3A_1003, %abs3A_1001 : vector<400x128xf32>
    %exp3A_1005 = math.exp %neg3A_1004 : vector<400x128xf32>
    %log1p3A_1006 = math.log1p %exp3A_1005 : vector<400x128xf32>
    %add3A_1007 = arith.addf %max3A_1000, %log1p3A_1006 : vector<400x128xf32>
    %mul3A_1008 = arith.mulf %div3A_997, %add3A_1007 : vector<400x128xf32>
    %add3A_1009 = arith.addf %add3A_979, %mul3A_1008 : vector<400x128xf32>
    %swap3A = arith.constant 0 : index
    %swap3A_1010 = arith.constant 0 : index
    %swap3A_1011 = vector.load %arg11[%swap3A, %swap3A_1010] : memref<400x128xf32, #tpu.memory_space<vmem>>, vector<400x128xf32>
    tpu.vector_store %arg11[%swap3A, %swap3A_1010], %add3A_1009 {strides = array<i32>} : memref<400x128xf32, #tpu.memory_space<vmem>>, vector<400x128xf32>,
    %eq3A = arith.constant 0 : i32
    %eq3A_1012 = arith.cmpi eq, %arg0, %eq3A : i32
    %convert_element_type3A = arith.extui %eq3A_1012 : i1 to i32
    %cond3A = arith.constant 0 : i32
    %cond3A_1013 = arith.cmpi ne, %convert_element_type3A, %cond3A : i32
    scf.if %cond3A_1013 {
      %broadcast_in_dim3A_1035 = arith.constant 0.000000e+00 : f32
      %broadcast_in_dim3A_1036 = vector.broadcast %broadcast_in_dim3A_1035 : f32 to vector<8x128xf32>
      %swap3A_1037 = arith.constant 0 : index
      %swap3A_1038 = arith.constant 0 : index
      %swap3A_1039 = vector.load %arg12[%swap3A_1037, %swap3A_1038] : memref<8x128xf32, #tpu.memory_space<vmem>>, vector<8x128xf32>
      tpu.vector_store %arg12[%swap3A_1037, %swap3A_1038], %broadcast_in_dim3A_1036 {strides = array<i32>} : memref<8x128xf32, #tpu.memory_space<vmem>>, vector<8x128xf32>,
    } else {
    }
    %get3A_1014 = arith.constant 0 : index
    %get3A_1015 = arith.constant 0 : index
    %get3A_1016 = vector.load %arg12[%get3A_1014, %get3A_1015] : memref<8x128xf32, #tpu.memory_space<vmem>>, vector<1x128xf32>
    %reduce_sum3A_1017 = arith.constant dense<0.000000e+00> : vector<128xf32>
    %reduce_sum3A_1018 = vector.multi_reduction <add>, %add3A_1009, %reduce_sum3A_1017 [0] : vector<400x128xf32> to vector<128xf32>
    %broadcast_in_dim3A_1019 = vector.shape_cast %reduce_sum3A_1018 : vector<128xf32> to vector<1x128xf32>
    %add3A_1020 = arith.addf %get3A_1016, %broadcast_in_dim3A_1019 : vector<1x128xf32>
    %swap3A_1021 = arith.constant 0 : index
    %swap3A_1022 = arith.constant 0 : index
    %swap3A_1023 = vector.load %arg12[%swap3A_1021, %swap3A_1022] : memref<8x128xf32, #tpu.memory_space<vmem>>, vector<1x128xf32>
    tpu.vector_store %arg12[%swap3A_1021, %swap3A_1022], %add3A_1020 {strides = array<i32>} : memref<8x128xf32, #tpu.memory_space<vmem>>, vector<1x128xf32>,
    %get3A_1024 = arith.constant 1 : index
    %get3A_1025 = arith.constant 0 : index
    %get3A_1026 = vector.load %arg12[%get3A_1024, %get3A_1025] : memref<8x128xf32, #tpu.memory_space<vmem>>, vector<1x128xf32>
    %mul3A_1027 = arith.mulf %add3A_1009, %add3A_1009 : vector<400x128xf32>
    %reduce_sum3A_1028 = arith.constant dense<0.000000e+00> : vector<128xf32>
    %reduce_sum3A_1029 = vector.multi_reduction <add>, %mul3A_1027, %reduce_sum3A_1028 [0] : vector<400x128xf32> to vector<128xf32>
    %broadcast_in_dim3A_1030 = vector.shape_cast %reduce_sum3A_1029 : vector<128xf32> to vector<1x128xf32>
    %add3A_1031 = arith.addf %get3A_1026, %broadcast_in_dim3A_1030 : vector<1x128xf32>
    %swap3A_1032 = arith.constant 1 : index
    %swap3A_1033 = arith.constant 0 : index
    %swap3A_1034 = vector.load %arg12[%swap3A_1032, %swap3A_1033] : memref<8x128xf32, #tpu.memory_space<vmem>>, vector<1x128xf32>
    tpu.vector_store %arg12[%swap3A_1032, %swap3A_1033], %add3A_1031 {strides = array<i32>} : memref<8x128xf32, #tpu.memory_space<vmem>>, vector<1x128xf32>,
    return
  }
  func.func @transform_0(%arg0: i32) -> (i32, i32) {
    %c0_i32 = arith.constant 0 : i32
    %c0_i32_0 = arith.constant 0 : i32
    return %arg0, %c0_i32 : i32, i32
  }
  func.func @transform_1(%arg0: i32) -> (i32, i32) {
    %c0_i32 = arith.constant 0 : i32
    %c0_i32_0 = arith.constant 0 : i32
    return %arg0, %c0_i32 : i32, i32
  }
  func.func @transform_2(%arg0: i32) -> (i32, i32, i32) {
    %c0_i32 = arith.constant 0 : i32
    %c0_i32_0 = arith.constant 0 : i32
    %c0_i32_1 = arith.constant 0 : i32
    return %arg0, %c0_i32, %c0_i32_0 : i32, i32, i32
  }
  func.func @transform_3(%arg0: i32) -> (i32, i32) {
    %c0_i32 = arith.constant 0 : i32
    %c0_i32_0 = arith.constant 0 : i32
    %c0_i32_1 = arith.constant 0 : i32
    return %c0_i32, %c0_i32_0 : i32, i32
  }
  func.func @transform_4(%arg0: i32) -> (i32, i32) {
    %c0_i32 = arith.constant 0 : i32
    %c0_i32_0 = arith.constant 0 : i32
    %c0_i32_1 = arith.constant 0 : i32
    return %c0_i32, %c0_i32_0 : i32, i32
  }
  func.func @transform_5(%arg0: i32) -> (i32, i32) {
    %c0_i32 = arith.constant 0 : i32
    %c0_i32_0 = arith.constant 0 : i32
    %c0_i32_1 = arith.constant 0 : i32
    return %c0_i32, %c0_i32_0 : i32, i32
  }
  func.func @transform_6(%arg0: i32) -> (i32, i32) {
    %c0_i32 = arith.constant 0 : i32
    %c0_i32_0 = arith.constant 0 : i32
    %c0_i32_1 = arith.constant 0 : i32
    return %c0_i32, %c0_i32_0 : i32, i32
  }
  func.func @transform_7(%arg0: i32) -> (i32, i32) {
    %c0_i32 = arith.constant 0 : i32
    %c0_i32_0 = arith.constant 0 : i32
    %c0_i32_1 = arith.constant 0 : i32
    return %c0_i32, %c0_i32_0 : i32, i32
  }
  func.func @transform_8(%arg0: i32) -> (i32, i32) {
    %c0_i32 = arith.constant 0 : i32
    %c0_i32_0 = arith.constant 0 : i32
    %c0_i32_1 = arith.constant 0 : i32
    return %c0_i32, %c0_i32_0 : i32, i32
  }
  func.func @transform_9(%arg0: i32) -> (i32, i32) {
    %c0_i32 = arith.constant 0 : i32
    %c0_i32_0 = arith.constant 0 : i32
    %c0_i32_1 = arith.constant 0 : i32
    return %c0_i32, %c0_i32_0 : i32, i32
  }
  func.func @transform_10(%arg0: i32) -> (i32, i32) {
    %c0_i32 = arith.constant 0 : i32
    %c0_i32_0 = arith.constant 0 : i32
    return %arg0, %c0_i32 : i32, i32
  }
  func.func @transform_11(%arg0: i32) -> (i32, i32) {
    %c0_i32 = arith.constant 0 : i32
    %c0_i32_0 = arith.constant 0 : i32
    %c0_i32_1 = arith.constant 0 : i32
    return %c0_i32, %c0_i32_0 : i32, i32
  }
}

module attributes {stable_mosaic.version = 14 : i64} {
  func.func @_final_body(%arg0: i32, %arg1: memref<2000x128xf32, #tpu.memory_space<vmem>>, %arg2: memref<2000x128xf32, #tpu.memory_space<vmem>>, %arg3: memref<8x128xf32, #tpu.memory_space<vmem>>, %arg4: memref<1x128xf32, #tpu.memory_space<vmem>>, %arg5: memref<1x128xf32, #tpu.memory_space<vmem>>, %arg6: memref<2000x128xf32, #tpu.memory_space<vmem>>) attributes {dimension_semantics = [#tpu.dimension_semantics<arbitrary>], iteration_bounds = array<i64: 5>, scalar_prefetch = 0 : i64, scratch_operands = 0 : i64, tpu.core_type = #tpu.core_type<tc>, window_params = [{transform_indices = @transform_0, window_bounds = array<i64: 2000, 128>}, {transform_indices = @transform_1, window_bounds = array<i64: 2000, 128>}, {pipeline_mode = #tpu.pipeline_mode<synchronous>, transform_indices = @transform_2, window_bounds = array<i64: 8, 128>}, {pipeline_mode = #tpu.pipeline_mode<synchronous>, transform_indices = @transform_3, window_bounds = array<i64: 1, 128>}, {pipeline_mode = #tpu.pipeline_mode<synchronous>, transform_indices = @transform_4, window_bounds = array<i64: 1, 128>}, {transform_indices = @transform_5, window_bounds = array<i64: 2000, 128>}]} {
    %get3A = arith.constant 0 : index
    %get3A_0 = arith.constant 0 : index
    %get3A_1 = vector.load %arg3[%get3A, %get3A_0] : memref<8x128xf32, #tpu.memory_space<vmem>>, vector<8x128xf32>
    %reshape3A = vector.shape_cast %get3A_1 : vector<8x128xf32> to vector<1x8x128xf32>
    %reduce_sum3A = arith.constant dense<0.000000e+00> : vector<8x128xf32>
    %reduce_sum3A_2 = vector.multi_reduction <add>, %reshape3A, %reduce_sum3A [0] : vector<1x8x128xf32> to vector<8x128xf32>
    %slice3A = vector.extract_strided_slice %reduce_sum3A_2 {offsets = [0, 0], sizes = [1, 128], strides = [1, 1]} : vector<8x128xf32> to vector<1x128xf32>
    %mul3A = arith.constant 9.99999974E-5 : f32
    %mul3A_3 = vector.broadcast %mul3A : f32 to vector<1x128xf32>
    %mul3A_4 = arith.mulf %slice3A, %mul3A_3 : vector<1x128xf32>
    %slice3A_5 = vector.extract_strided_slice %reduce_sum3A_2 {offsets = [1, 0], sizes = [1, 128], strides = [1, 1]} : vector<8x128xf32> to vector<1x128xf32>
    %mul3A_6 = arith.constant 9.99999974E-5 : f32
    %mul3A_7 = vector.broadcast %mul3A_6 : f32 to vector<1x128xf32>
    %mul3A_8 = arith.mulf %slice3A_5, %mul3A_7 : vector<1x128xf32>
    %mul3A_9 = arith.mulf %mul3A_4, %mul3A_4 : vector<1x128xf32>
    %sub3A = arith.subf %mul3A_8, %mul3A_9 : vector<1x128xf32>
    %add3A = arith.constant 9.99999974E-6 : f32
    %add3A_10 = vector.broadcast %add3A : f32 to vector<1x128xf32>
    %add3A_11 = arith.addf %sub3A, %add3A_10 : vector<1x128xf32>
    %rsqrt3A = math.rsqrt %add3A_11 : vector<1x128xf32>
    %get3A_12 = arith.constant 0 : index
    %get3A_13 = arith.constant 0 : index
    %get3A_14 = vector.load %arg4[%get3A_12, %get3A_13] : memref<1x128xf32, #tpu.memory_space<vmem>>, vector<1x128xf32>
    %mul3A_15 = arith.mulf %get3A_14, %rsqrt3A : vector<1x128xf32>
    %get3A_16 = arith.constant 0 : index
    %get3A_17 = arith.constant 0 : index
    %get3A_18 = vector.load %arg5[%get3A_16, %get3A_17] : memref<1x128xf32, #tpu.memory_space<vmem>>, vector<1x128xf32>
    %mul3A_19 = arith.mulf %mul3A_4, %mul3A_15 : vector<1x128xf32>
    %sub3A_20 = arith.subf %get3A_18, %mul3A_19 : vector<1x128xf32>
    %get3A_21 = arith.constant 0 : index
    %get3A_22 = arith.constant 0 : index
    %get3A_23 = vector.load %arg1[%get3A_21, %get3A_22] : memref<2000x128xf32, #tpu.memory_space<vmem>>, vector<2000x128xf32>
    %get3A_24 = arith.constant 0 : index
    %get3A_25 = arith.constant 0 : index
    %get3A_26 = vector.load %arg2[%get3A_24, %get3A_25] : memref<2000x128xf32, #tpu.memory_space<vmem>>, vector<2000x128xf32>
    %mul3A_27 = vector.broadcast %mul3A_15 : vector<1x128xf32> to vector<2000x128xf32>
    %mul3A_28 = arith.mulf %get3A_26, %mul3A_27 : vector<2000x128xf32>
    %add3A_29 = arith.addf %get3A_23, %mul3A_28 : vector<2000x128xf32>
    %add3A_30 = vector.broadcast %sub3A_20 : vector<1x128xf32> to vector<2000x128xf32>
    %add3A_31 = arith.addf %add3A_29, %add3A_30 : vector<2000x128xf32>
    %max3A = arith.constant 0.000000e+00 : f32
    %max3A_32 = vector.broadcast %max3A : f32 to vector<2000x128xf32>
    %max3A_33 = arith.maximumf %add3A_31, %max3A_32 : vector<2000x128xf32>
    %abs3A = math.absf %add3A_31 : vector<2000x128xf32>
    %neg3A = arith.constant 0.000000e+00 : f32
    %neg3A_34 = vector.broadcast %neg3A : f32 to vector<2000x128xf32>
    %neg3A_35 = arith.subf %neg3A_34, %abs3A : vector<2000x128xf32>
    %exp3A = math.exp %neg3A_35 : vector<2000x128xf32>
    %log1p3A = math.log1p %exp3A : vector<2000x128xf32>
    %add3A_36 = arith.addf %max3A_33, %log1p3A : vector<2000x128xf32>
    %swap3A = arith.constant 0 : index
    %swap3A_37 = arith.constant 0 : index
    %swap3A_38 = vector.load %arg6[%swap3A, %swap3A_37] : memref<2000x128xf32, #tpu.memory_space<vmem>>, vector<2000x128xf32>
    tpu.vector_store %arg6[%swap3A, %swap3A_37], %add3A_36 {strides = array<i32>} : memref<2000x128xf32, #tpu.memory_space<vmem>>, vector<2000x128xf32>,
    return
  }
  func.func @transform_0(%arg0: i32) -> (i32, i32) {
    %c0_i32 = arith.constant 0 : i32
    %c0_i32_0 = arith.constant 0 : i32
    return %arg0, %c0_i32 : i32, i32
  }
  func.func @transform_1(%arg0: i32) -> (i32, i32) {
    %c0_i32 = arith.constant 0 : i32
    %c0_i32_0 = arith.constant 0 : i32
    return %arg0, %c0_i32 : i32, i32
  }
  func.func @transform_2(%arg0: i32) -> (i32, i32) {
    %c0_i32 = arith.constant 0 : i32
    %c0_i32_0 = arith.constant 0 : i32
    %c0_i32_1 = arith.constant 0 : i32
    return %c0_i32, %c0_i32_0 : i32, i32
  }
  func.func @transform_3(%arg0: i32) -> (i32, i32) {
    %c0_i32 = arith.constant 0 : i32
    %c0_i32_0 = arith.constant 0 : i32
    %c0_i32_1 = arith.constant 0 : i32
    return %c0_i32, %c0_i32_0 : i32, i32
  }
  func.func @transform_4(%arg0: i32) -> (i32, i32) {
    %c0_i32 = arith.constant 0 : i32
    %c0_i32_0 = arith.constant 0 : i32
    %c0_i32_1 = arith.constant 0 : i32
    return %c0_i32, %c0_i32_0 : i32, i32
  }
  func.func @transform_5(%arg0: i32) -> (i32, i32) {
    %c0_i32 = arith.constant 0 : i32
    %c0_i32_0 = arith.constant 0 : i32
    return %arg0, %c0_i32 : i32, i32
  }
}

</mosaic_0001>

<sc_bundles>
// kernel: kernel.6.cloned.1.call-start
scs
__scs_entry_jumppad:
0x0: {  	(pc) =	sbr.rel $0x88, $3  }
0x1: {  	(tag) =	ssettag $0x0;
	lr =	simm.s32 $0x1  }
0x2: {  	[smem:$0x3F98] =	sst lr;
	_ =	strace $0xD0000000  }
0x3: {  	_ = 	snop  }
0x4: {  	_ = 	snop  }
0x5: {  	_ = 	snop  }
0x6: {  	_ = 	snop  }
0x7: {  	_ = 	snop  }
__scs_overlays_trampoline_lowered:
0x8: {  	[smem:$0x3FA7] =	sst s0  }
0x9: {  	[smem:$0x3FA8] =	sst s1  }
0xa: {  	[smem:$0x3FA9] =	sst s2  }
0xb: {  	[smem:$0x3FAA] =	sst s3  }
0xc: {  	[smem:$0x3FAB] =	sst s4  }
0xd: {  	[smem:$0x3FAC] =	sst s5  }
0xe: {  	[smem:$0x3FAD] =	sst s6  }
0xf: {  	[smem:$0x3FAE] =	sst s7  }
0x10: {  	[smem:$0x3FAF] =	sst s8  }
0x11: {  	[smem:$0x3FB0] =	sst s9;
	s0 =	simm.s32 @!p0 $0x0  }
0x12: {  	s1 =	sld [smem:$0x3F96];
	s0 =	simm.s32 @p0 $0x1  }
0x13: {  	[smem:$0x3FB1] =	sst s0;
	s0 =	simm.s32 @!p1 $0x0  }
0x14: {  	s2 =	sld [smem:$0x3F95];
	s0 =	simm.s32 @p1 $0x1  }
0x15: {  	[smem:$0x3FB2] =	sst s0;
	s0 =	simm.s32 @!p2 $0x0  }
0x16: {  	s3 =	sld [smem:$0x3FDB];
	s0 =	simm.s32 @p2 $0x1  }
0x17: {  	s4 =	simm.s32 $0x1BF5;
	[smem:$0x3FB4] =	sst s0  }
0x18: {  	s0 =	sld [smem:$0x3F97];
	_ =	swait.ge [sflag:s4], $0x0  }
0x19: {  	s7 =	sld [smem:$0x3F98]  }
0x1a: {  	s8 =	sadd.s32 $0xFFFFE003, lr  }
0x1b: {  	s9 =	sadd.s32 $0xFFFFFEF7, lr;
	s5 =	simm.s32 $0xFFFFFFFF;
	p2 =	slt.u32 s8, $0xFFFFF086  }
0x1c: {  	p1 =	slt.u32 s9, $0xF7A;
	s5 =	simm.s32 @!p2 $0x0  }
0x1d: {  	s5 =	simm.s32 @p1 $0x1;
	p0 =	seq.s32 s7, s2  }
0x1e: {  	s7 =	smul.u32 @!p0 $0xF7A, s2;
	p2 =	seq.s32 @!p0 s5, $0x0  }
0x1f: {  	s9 =	smul.u32 $0xF7A, s1;
	s8 =	simm.s32 @!p0 $0x1BF5;
	p2 =	por !p2, p0  }
0x20: {  	[sflag:s8] =	ssyncset.s32 @!p0 $0xFFFFF086;
	s6 =	sadd.s32 @!p0 s3, s7;
	s7 =	simm.s32 @!p0 $0x108  }
0x21: {  	s3 =	sadd.s32 s3, s9;
	s6 =	sadd.s32 @!p0 $0x88, s6;
	s7 =	simm.s32 @p2 $0x1082  }
0x22: {  	[simem:s7], [sflag:s8] =	dma.local @!p0 [hbm:s6], $0xF7A  }
0x23: {  	s9 =	sor.u32 $0xD0000000, s2;
	s6 =	simm.s32 $0x108;
	_ =	swait.ge @!p0 [sflag:s8], $0x0  }
0x24: {  	s3 =	sadd.s32 $0x88, s3;
	s6 =	simm.s32 @!p1 $0x1082;
	[sflag:s4] =	ssyncset.s32 $0xFFFFF086  }
0x25: {  	[simem:s6], [sflag:s4] =	dma.local [hbm:s3], $0xF7A  }
0x26: {  	[smem:$0x3F98] =	sst s1;
	(tag) =	ssettag s2;
	_ =	strace s9  }
0x27: {  	s1 =	sld [smem:$0x3FA8]  }
0x28: {  	s2 =	sld [smem:$0x3FA9]  }
0x29: {  	s4 =	sld [smem:$0x3FAB]  }
0x2a: {  	p0 =	seq.s32 s5, $0x0;
	s5 =	sld [smem:$0x3FAC]  }
0x2b: {  	s6 =	sld [smem:$0x3FAD]  }
0x2c: {  	s7 =	sld [smem:$0x3FAE]  }
0x2d: {  	s3 =	simm.s32 $0x108;
	s8 =	sld [smem:$0x3FAF]  }
0x2e: {  	s3 =	simm.s32 @!p0 $0x1082;
	s9 =	sld [smem:$0x3FB0]  }
0x2f: {  	lr =	sadd.s32 s0, s3;
	s0 =	sld [smem:$0x3FA7]  }
0x30: {  	s3 =	sld [smem:$0x3FAA]  }
0x31: {  	[smem:$0x3FB3] =	sst s10  }
0x32: {  	s10 =	sld [smem:$0x3FB1];
	_ =	sdelay $0x3  }
0x33: {  	p0 =	seq.s32 s10, $0x1;
	s10 =	sld [smem:$0x3FB3];
	_ =	sdelay $0x3  }
0x34: {  	[smem:$0x3FB3] =	sst s10  }
0x35: {  	s10 =	sld [smem:$0x3FB2];
	_ =	sdelay $0x3  }
0x36: {  	p1 =	seq.s32 s10, $0x1;
	s10 =	sld [smem:$0x3FB3];
	_ =	sdelay $0x3  }
0x37: {  	[smem:$0x3FB3] =	sst s10  }
0x38: {  	s10 =	sld [smem:$0x3FB4]  }
0x39: {  	_ = 	snop;
	(pc) =	sbr.ind lr, $3  }
0x3a: {  	_ = 	snop  }
0x3b: {  	_ = 	snop  }
0x3c: {  	p2 =	seq.s32 s10, $0x1;
	s10 =	sld [smem:$0x3FB3]  }
0x3d: {  	_ =	shalt  }
0x3e: {  	_ =	shalt  }
0x3f: {  	_ =	shalt  }
0x40: {  	_ =	shalt  }
0x41: {  	_ =	shalt  }
0x42: {  	_ =	shalt  }
0x43: {  	_ =	shalt  }
0x44: {  	_ =	shalt  }
0x45: {  	_ =	shalt  }
0x46: {  	_ =	shalt  }
0x47: {  	_ =	shalt  }
0x48: {  	_ =	shalt  }
0x49: {  	_ =	shalt  }
0x4a: {  	_ =	shalt  }
0x4b: {  	_ =	shalt  }
0x4c: {  	_ =	shalt  }
0x4d: {  	_ =	shalt  }
0x4e: {  	_ =	shalt  }
0x4f: {  	_ =	shalt  }
0x50: {  	_ =	shalt  }
0x51: {  	_ =	shalt  }
0x52: {  	_ =	shalt  }
0x53: {  	_ =	shalt  }
0x54: {  	_ =	shalt  }
0x55: {  	_ =	shalt  }
0x56: {  	_ =	shalt  }
0x57: {  	_ =	shalt  }
0x58: {  	_ =	shalt  }
0x59: {  	_ =	shalt  }
0x5a: {  	_ =	shalt  }
0x5b: {  	_ =	shalt  }
0x5c: {  	_ =	shalt  }
0x5d: {  	_ =	shalt  }
0x5e: {  	_ =	shalt  }
0x5f: {  	_ =	shalt  }
0x60: {  	_ =	shalt  }
0x61: {  	_ =	shalt  }
0x62: {  	_ =	shalt  }
0x63: {  	_ =	shalt  }
0x64: {  	_ =	shalt  }
0x65: {  	_ =	shalt  }
0x66: {  	_ =	shalt  }
0x67: {  	_ =	shalt  }
0x68: {  	_ =	shalt  }
0x69: {  	_ =	shalt  }
0x6a: {  	_ =	shalt  }
0x6b: {  	_ =	shalt  }
0x6c: {  	_ =	shalt  }
0x6d: {  	_ =	shalt  }
0x6e: {  	_ =	shalt  }
0x6f: {  	_ =	shalt  }
0x70: {  	_ =	shalt  }
0x71: {  	_ =	shalt  }
0x72: {  	_ =	shalt  }
0x73: {  	_ =	shalt  }
0x74: {  	_ =	shalt  }
0x75: {  	_ =	shalt  }
0x76: {  	_ =	shalt  }
0x77: {  	_ =	shalt  }
0x78: {  	_ =	shalt  }
0x79: {  	_ =	shalt  }
0x7a: {  	_ =	shalt  }
0x7b: {  	_ =	shalt  }
0x7c: {  	_ =	shalt  }
0x7d: {  	_ =	shalt  }
0x7e: {  	_ =	shalt  }
0x7f: {  	_ =	shalt  }
0x80: {  	_ =	shalt  }
0x81: {  	_ =	shalt  }
0x82: {  	_ =	shalt  }
0x83: {  	_ =	shalt  }
0x84: {  	_ =	shalt  }
0x85: {  	_ =	shalt  }
0x86: {  	_ =	shalt  }
0x87: {  	_ =	shalt  }
.Lfunc_end0:
.L_simem_size_0:
called_computation_lowered:
.L_overlay_start_0:
0x88: {  	s2 =	sld [smem:$0x3FD9]  }
0x89: {  	s3 =	sld [smem:$0x3FFE];
	_ =	sdelay $0x1  }
0x8a: {  	s1 =	srdreg.scid  }
0x8b: {  	s0 =	sand.u32 $0x1, s1  }
0x8c: {  	s17 =	sshll.u32 s0, $0xA;
	s2 =	sadd.s32 s3, s2  }
0x8d: {  	s2 =	sadd.s32 s2, s17  }
0x8e: {  	[smem:$0x3FBF] =	sst s2  }
0x8f: {  	_ = 	snop  }
0x90: {  	s2 =	sld [smem:$0x3FC9]  }
0x91: {  	s18 =	sld [smem:$0x3FD0];
	(tm) =	ssettm $0x1  }
0x92: {  	s4 =	sld [smem:$0x3FFB];
	_ =	sdelay $0x3  }
0x93: {  	_ =	strace s4  }
0x94: {  	s4 =	sld [smem:$0x3FFC];
	_ =	sdelay $0x3  }
0x95: {  	_ =	strace s4  }
0x96: {  	s4 =	sld [smem:$0x3FFD];
	_ =	sdelay $0x3  }
0x97: {  	_ =	strace s4  }
0x98: {  	_ =	strace $0x8FFFFFFF  }
0x99: {  	s19 =	sld [smem:$0x3FDB];
	_ =	sdelay $0x1  }
0x9a: {  	s5 =	simm.s32 $_scs_section_size  }
0x9b: {  	s6 =	simm.s32 $_size__tile_overlayer_lowered;
	s7 =	simm.s32 $_tile_overlayer_lowered  }
0x9c: {  	s22 =	simm.s32 $0x1BFF;
	s21 =	sshll.u32 s7, $0x1;
	s4 =	sadd.s32 s5, s19  }
0x9d: {  	s8 =	simm.s32 $0x0;
	s20 =	sshll.u32 s6, $0x1;
	s6 =	sadd.s32 s21, s4  }
0x9e: {  	[timem:s8], [sflag:s22] =	dma.local [hbm:s6], s20  }
0x9f: {  	_ =	swait.ge [sflag:s22], s20  }
0xa0: {  	s5 =	ssub.s32 $0x0, s20;
	[sflag:s22] =	ssyncset.done $0x0  }
0xa1: {  	[sflag:s22] =	ssyncadd.s32 s5;
	_ =	sdelay $0x1  }
0xa2: {  	s23 =	simm.s32 $0x1B8B  }
0xa3: {  	_ =	swait.ge [sflag:s23], $0x1  }
0xa4: {  	[sflag:s23] =	ssyncset.done $0x0  }
0xa5: {  	s25 =	simm.s32 $0x1B8E;
	s24 =	sld [smem:$0x3FFE];
	[sflag:s23] =	ssyncadd.s32 $0xFFFFFFFF  }
0xa6: {  	s26 =	simm.s32 $execute0_lowered;
	[smem:$0x3FD2] =	sst s25  }
0xa7: {  	s6 =	sshll.u32 s26, $0x1;
	_ =	strace $0x80000046;
	[dreg:$0x1] =	wrdreg $0xFFFFFFFF  }
0xa8: {  	s28 =	simm.s32 $_size_execute0_lowered;
	s4 =	sadd.s32 s4, s6;
	[dreg:$0x0] =	wrdreg $0x0  }
0xa9: {  	s6 =	sshll.u32 s28, $0x1;
	[dreg:$0x2] =	wrdreg s4  }
0xaa: {  	[dreg:$0x3] =	wrdreg s6  }
0xab: {  	[dreg:$0x4] =	wrdreg $0xC0  }
0xac: {  	_ =	task [dreg:s8], $0x5FFFF  }
0xad: {  	[dreg:$0x1] =	wrdreg $0xFFFFFFFF  }
0xae: {  	[dreg:$0x0] =	wrdreg $0x60  }
0xaf: {  	[dreg:$0x2] =	wrdreg s2  }
0xb0: {  	[dreg:$0x3] =	wrdreg s18  }
0xb1: {  	[dreg:$0x4] =	wrdreg s24  }
0xb2: {  	[dreg:$0x5] =	wrdreg $0x9  }
0xb3: {  	_ =	task.clear_ibuf [dreg:s8], $0x6FFFF;
	_ =	strace $0x90000046  }
0xb4: {  	s29 =	simm.s32 $0x9;
	_ =	strace $0x80000048  }
0xb5: {  	_ =	swait.ge [sflag:s29], $0x1  }
0xb6: {  	[sflag:s29] =	ssyncadd.s32 $0xFFFFFFFF  }
0xb7: {  	_ =	strace $0x90000048  }
0xb8: {  	_ =	sfence  }
0xb9: {  	s30 =	sld [smem:$0x0];
	_ =	sdelay $0x2  }
0xba: {  	s31 =	sshll.u32 s1, $0xD;
	s1 =	sshrl.u32 s1, $0x2  }
0xbb: {  	s3 =	sand.u32 $0x4000, s31;
	s1 =	sadd.s32 s1, s30  }
0xbc: {  	s0 =	sor.u32 s3, s0;
	s1 =	sshll.u32 s1, $0x11  }
0xbd: {  	s0 =	sor.u32 s1, s0  }
0xbe: {  	s0 =	sadd.s32 $0x8F2B, s0  }
0xbf: {  	[sflag:s0] =	ssyncadd.remote.s32 $0x1  }
0xc0: {  	_ =	sfence.sel $0xFFFF  }
0xc1: {  	[dreg:$0x0] =	wrdreg $0xFFFFFFFF;
	(pc) =	sbr.abs _section_cstart, $3  }
0xc2: {  	[dreg:$0x1] =	wrdreg $0xFFFFFFFF  }
0xc3: {  	_ =	task.clear_ibuf [dreg:s8], $0x2FFFF;
	_ =	strace $0x9FFFFFFF  }
0xc4: {  	(tm) =	ssettm $0x7FFFFFFF  }
0xc5: {  	_ =	shalt  }
tec
execute0_lowered:
.L_overlay_start_1:
0x0: {  	(tag) =	ssettag $0x1  }
0x1: {  	s1 =	rddreg [dreg:$0x0]  }
0x2: {  	s0 =	rddreg [dreg:$0x1];
	s2 =	srdreg.scid  }
0x3: {  	s12 =	stileid.u32;
	s4 =	rddreg [dreg:$0x2]  }
0x4: {  	s13 =	simm.s32 $0x9;
	s14 =	simm.s32 $0xC8;
	s15 =	simm.s32 $0x2780  }
0x5: {  	s16 =	simm.s32 $0x8B80;
	s17 =	simm.s32 $0x1;
	s19 =	simm.s32 $0xEF80  }
0x6: {  	s20 =	simm.s32 $0x2;
	s28 =	simm.s32 $0x6;
	s29 =	simm.s32 $0x3E8  }
0x7: {  	s2 =	sand.u32 $0x1, s2;
	s3 =	sshll.u32 s12, $0x1;
	s25 =	smul.u32 $0x4E200, s12  }
0x8: {  	s5 =	sor.u32 s2, s3;
	s6 =	ssub.s32 $0x2, s2;
	s2 =	smul.u32 $0x27100, s2  }
0x9: {  	s30 =	simm.s32 $0x7;
	s31 =	simm.s32 $0x8;
	s7 =	smul.u32 $0x2710, s5  }
0xa: {  	s10 =	sadd.s32 $0x1600, s4;
	s3 =	simm.s32 $0x0;
	s9 =	smul.u32 $0x138800, s5  }
0xb: {  	[smem:$0x7FF] =	sst s3;
	s8 =	sshrl.u32 s6, $0x1;
	s5 =	smul.u32 $0x27100, s5  }
0xc: {  	s12 =	sadd.s32 s25, s10;
	_ =	strace $0x80000047;
	s11 =	ssub.s32 s6, s8  }
0xd: {  	s26 =	sadd.s32 s2, s12;
	s2 =	simm.s32 $0x0;
	s22 =	sshrl.u32 s7, $0x3  }
0xe: {  	s23 =	sshrl.u32 s9, $0x3;
	s5 =	sadd.s32 s10, s5;
	s11 =	smax.u32 s11, $0x1  }
0xf: {  	s12 =	sadd.s32 $0x5780, s26;
	s26 =	simm.s32 $0x4;
	s4 =	sadd.s32 s0, s22  }
0x10: {  	s24 =	sadd.s32 s10, s23;
	s22 =	simm.s32 $0x15380;
	s23 =	simm.s32 $0x3  }
0x11: {  	s6 =	sadd.s32 $0xC80, s24;
	s7 =	sadd.s32 $0x1900, s24;
	s8 =	sadd.s32 $0x2580, s24  }
0x12: {  	s9 =	sadd.s32 $0x25800, s24;
	s10 =	sadd.s32 $0x26480, s24;
	s24 =	simm.s32 $0x5  }
.LBB2_1:
0x13: {  	[tilespmem:s3], [sflag:$0x9] =	stream.linear.gather [hbm4b:s4+s3], $0x2710, $0x38;
	[tilespmem:$0x1B780] =	vst v63  }
0x14: {  	_ =	swait.ge [sflag:s13], $0x2710  }
0x15: {  	[sflag:s13] =	ssyncset.done $0x0  }
0x16: {  	[sflag:s13] =	ssyncadd.s32 $0xFFFFD8F0  }
0x17: {  	[tilespmem:s15], [sflag:$0x1] =	stream.indirect.gather [hbm4b:s1+s14], $0x80, s3, s14, $0xb8;
	[tilespmem:$0x1B780] =	vst v63  }
0x18: {  	_ = 	snop  }
0x19: {  	[tilespmem:s16], [sflag:$0x2] =	stream.indirect.gather [hbm4b:s1+s14], $0x80, s14, s14, $0xb8;
	[tilespmem:$0x1B780] =	vst v63  }
0x1a: {  	_ =	swait.ge [sflag:s17], $0x6400  }
0x1b: {  	[sflag:s17] =	ssyncset.done $0x0  }
0x1c: {  	[sflag:s17] =	ssyncadd.s32 $0xFFFF9C00  }
0x1d: {  	[hbm4b:s5+s3] =	stream.linear.scatter [tilespmem:s15], [sflag:$0x5], $0x6400, $0x38;
	[tilespmem:$0x1B780] =	vst v63  }
0x1e: {  	s0 =	simm.s32 $0x190  }
0x1f: {  	[tilespmem:s19], [sflag:$0x3] =	stream.indirect.gather [hbm4b:s1+s14], $0x80, s0, s14, $0xb8;
	[tilespmem:$0x1B780] =	vst v63  }
0x20: {  	_ =	swait.ge [sflag:s20], $0x6400  }
0x21: {  	[sflag:s20] =	ssyncset.done $0x0  }
0x22: {  	[sflag:s20] =	ssyncadd.s32 $0xFFFF9C00  }
0x23: {  	[hbm4b:s6+s3] =	stream.linear.scatter [tilespmem:s16], [sflag:$0x6], $0x6400, $0x38;
	[tilespmem:$0x1B780] =	vst v63  }
0x24: {  	s21 =	simm.s32 $0x258  }
0x25: {  	[tilespmem:s22], [sflag:$0x4] =	stream.indirect.gather [hbm4b:s1+s14], $0x80, s21, s14, $0xb8;
	[tilespmem:$0x1B780] =	vst v63  }
0x26: {  	_ =	swait.ge [sflag:s23], $0x6400  }
0x27: {  	[sflag:s23] =	ssyncset.done $0x0  }
0x28: {  	[sflag:s23] =	ssyncadd.s32 $0xFFFF9C00  }
0x29: {  	[hbm4b:s7+s3] =	stream.linear.scatter [tilespmem:s19], [sflag:$0x7], $0x6400, $0x38;
	[tilespmem:$0x1B780] =	vst v63  }
0x2a: {  	_ =	swait.ge [sflag:s24], $0x6400  }
0x2b: {  	[sflag:s24] =	ssyncset.done $0x0  }
0x2c: {  	s25 =	simm.s32 $0x320;
	[sflag:s24] =	ssyncadd.s32 $0xFFFF9C00  }
0x2d: {  	[tilespmem:s15], [sflag:$0x1] =	stream.indirect.gather [hbm4b:s1+s14], $0x80, s25, s14, $0xb8;
	[tilespmem:$0x1B780] =	vst v63  }
0x2e: {  	_ =	swait.ge [sflag:s26], $0x6400  }
0x2f: {  	[sflag:s26] =	ssyncset.done $0x0  }
0x30: {  	[sflag:s26] =	ssyncadd.s32 $0xFFFF9C00  }
0x31: {  	[hbm4b:s8+s3] =	stream.linear.scatter [tilespmem:s22], [sflag:$0x8], $0x6400, $0x38;
	[tilespmem:$0x1B780] =	vst v63  }
0x32: {  	_ =	swait.ge [sflag:s28], $0x6400  }
0x33: {  	[sflag:s28] =	ssyncset.done $0x0  }
0x34: {  	[sflag:s28] =	ssyncadd.s32 $0xFFFF9C00  }
0x35: {  	[tilespmem:s16], [sflag:$0x2] =	stream.indirect.gather [hbm4b:s1+s14], $0x80, s29, s14, $0xb8;
	[tilespmem:$0x1B780] =	vst v63  }
0x36: {  	_ =	swait.ge [sflag:s17], $0x6400  }
0x37: {  	[sflag:s17] =	ssyncset.done $0x0  }
0x38: {  	s18 =	sadd.s32 $0xFFFFDA80, s12;
	[sflag:s17] =	ssyncadd.s32 $0xFFFF9C00  }
0x39: {  	[hbm4b:s18+s3] =	stream.linear.scatter [tilespmem:s15], [sflag:$0x5], $0x6400, $0x38;
	[tilespmem:$0x1B780] =	vst v63  }
0x3a: {  	_ =	swait.ge [sflag:s30], $0x6400  }
0x3b: {  	[sflag:s30] =	ssyncset.done $0x0  }
0x3c: {  	s21 =	simm.s32 $0x4B0;
	[sflag:s30] =	ssyncadd.s32 $0xFFFF9C00  }
0x3d: {  	[tilespmem:s19], [sflag:$0x3] =	stream.indirect.gather [hbm4b:s1+s14], $0x80, s21, s14, $0xb8;
	[tilespmem:$0x1B780] =	vst v63  }
0x3e: {  	_ =	swait.ge [sflag:s20], $0x6400  }
0x3f: {  	[sflag:s20] =	ssyncset.done $0x0  }
0x40: {  	s25 =	sadd.s32 $0xFFFFE700, s12;
	[sflag:s20] =	ssyncadd.s32 $0xFFFF9C00  }
0x41: {  	[hbm4b:s25+s3] =	stream.linear.scatter [tilespmem:s16], [sflag:$0x6], $0x6400, $0x38;
	[tilespmem:$0x1B780] =	vst v63  }
0x42: {  	_ =	swait.ge [sflag:s31], $0x6400  }
0x43: {  	[sflag:s31] =	ssyncset.done $0x0  }
0x44: {  	s18 =	simm.s32 $0x578;
	[sflag:s31] =	ssyncadd.s32 $0xFFFF9C00  }
0x45: {  	[tilespmem:s22], [sflag:$0x4] =	stream.indirect.gather [hbm4b:s1+s14], $0x80, s18, s14, $0xb8;
	[tilespmem:$0x1B780] =	vst v63  }
0x46: {  	_ =	swait.ge [sflag:s23], $0x6400  }
0x47: {  	[sflag:s23] =	ssyncset.done $0x0  }
0x48: {  	s21 =	sadd.s32 $0xFFFFF380, s12;
	[sflag:s23] =	ssyncadd.s32 $0xFFFF9C00  }
0x49: {  	[hbm4b:s21+s3] =	stream.linear.scatter [tilespmem:s19], [sflag:$0x7], $0x6400, $0x38;
	[tilespmem:$0x1B780] =	vst v63  }
0x4a: {  	_ =	swait.ge [sflag:s24], $0x6400  }
0x4b: {  	[sflag:s24] =	ssyncset.done $0x0  }
0x4c: {  	s25 =	simm.s32 $0x640;
	[sflag:s24] =	ssyncadd.s32 $0xFFFF9C00  }
0x4d: {  	[tilespmem:s15], [sflag:$0x1] =	stream.indirect.gather [hbm4b:s1+s14], $0x80, s25, s14, $0xb8;
	[tilespmem:$0x1B780] =	vst v63  }
0x4e: {  	_ =	swait.ge [sflag:s26], $0x6400  }
0x4f: {  	[sflag:s26] =	ssyncset.done $0x0  }
0x50: {  	[sflag:s26] =	ssyncadd.s32 $0xFFFF9C00  }
0x51: {  	[hbm4b:s12+s3] =	stream.linear.scatter [tilespmem:s22], [sflag:$0x8], $0x6400, $0x38;
	[tilespmem:$0x1B780] =	vst v63  }
0x52: {  	_ =	swait.ge [sflag:s28], $0x6400  }
0x53: {  	s0 =	simm.s32 $0xC80;
	[sflag:s28] =	ssyncset.done $0x0  }
0x54: {  	s18 =	sadd.s32 $0x3200, s12;
	s21 =	simm.s32 $0x708;
	[sflag:s28] =	ssyncadd.s32 $0xFFFF9C00  }
.LBB2_2:
0x55: {  	[tilespmem:s16], [sflag:$0x2] =	stream.indirect.gather [hbm4b:s1+s14], $0x80, s21, s14, $0xb8;
	[tilespmem:$0x1B780] =	vst v63  }
0x56: {  	s21 =	smov.u32 s0  }
0x57: {  	p0 =	sne.s32 s0, $0x7D00;
	s0 =	sadd.s32 $0xC80, s0;
	_ =	swait.ge [sflag:s17], $0x6400  }
0x58: {  	[sflag:s17] =	ssyncset.done $0x0  }
0x59: {  	s25 =	sadd.s32 $0xFFFFDA80, s18;
	[sflag:s17] =	ssyncadd.s32 $0xFFFF9C00  }
0x5a: {  	[hbm4b:s25+s3] =	stream.linear.scatter [tilespmem:s15], [sflag:$0x5], $0x6400, $0x38;
	[tilespmem:$0x1B780] =	vst v63  }
0x5b: {  	_ =	swait.ge [sflag:s30], $0x6400  }
0x5c: {  	s21 =	sshra.s32 s21, $0x2;
	[sflag:s30] =	ssyncset.done $0x0  }
0x5d: {  	s25 =	sadd.s32 $0x4B0, s21;
	[sflag:s30] =	ssyncadd.s32 $0xFFFF9C00  }
0x5e: {  	[tilespmem:s19], [sflag:$0x3] =	stream.indirect.gather [hbm4b:s1+s14], $0x80, s25, s14, $0xb8;
	[tilespmem:$0x1B780] =	vst v63  }
0x5f: {  	_ =	swait.ge [sflag:s20], $0x6400  }
0x60: {  	[sflag:s20] =	ssyncset.done $0x0  }
0x61: {  	s25 =	sadd.s32 $0xFFFFE700, s18;
	[sflag:s20] =	ssyncadd.s32 $0xFFFF9C00  }
0x62: {  	[hbm4b:s25+s3] =	stream.linear.scatter [tilespmem:s16], [sflag:$0x6], $0x6400, $0x38;
	[tilespmem:$0x1B780] =	vst v63  }
0x63: {  	_ =	swait.ge [sflag:s31], $0x6400  }
0x64: {  	[sflag:s31] =	ssyncset.done $0x0  }
0x65: {  	s25 =	sadd.s32 $0x578, s21;
	[sflag:s31] =	ssyncadd.s32 $0xFFFF9C00  }
0x66: {  	[tilespmem:s22], [sflag:$0x4] =	stream.indirect.gather [hbm4b:s1+s14], $0x80, s25, s14, $0xb8;
	[tilespmem:$0x1B780] =	vst v63  }
0x67: {  	_ =	swait.ge [sflag:s23], $0x6400  }
0x68: {  	[sflag:s23] =	ssyncset.done $0x0  }
0x69: {  	s25 =	sadd.s32 $0xFFFFF380, s18;
	[sflag:s23] =	ssyncadd.s32 $0xFFFF9C00  }
0x6a: {  	[hbm4b:s25+s3] =	stream.linear.scatter [tilespmem:s19], [sflag:$0x7], $0x6400, $0x38;
	[tilespmem:$0x1B780] =	vst v63  }
0x6b: {  	_ =	swait.ge [sflag:s24], $0x6400  }
0x6c: {  	[sflag:s24] =	ssyncset.done $0x0  }
0x6d: {  	s25 =	sadd.s32 $0x640, s21;
	[sflag:s24] =	ssyncadd.s32 $0xFFFF9C00  }
0x6e: {  	[tilespmem:s15], [sflag:$0x1] =	stream.indirect.gather [hbm4b:s1+s14], $0x80, s25, s14, $0xb8;
	[tilespmem:$0x1B780] =	vst v63  }
0x6f: {  	_ =	swait.ge [sflag:s26], $0x6400  }
0x70: {  	[sflag:s26] =	ssyncset.done $0x0  }
.Ltmp0:
0x71: {  	[sflag:s26] =	ssyncadd.s32 $0xFFFF9C00;
	(pc) =	sbr.rel @p0 .LBB2_2-.Ltmp0, $4  }
0x72: {  	[hbm4b:s18+s3] =	stream.linear.scatter [tilespmem:s22], [sflag:$0x8], $0x6400, $0x38;
	[tilespmem:$0x1B780] =	vst v63  }
0x73: {  	_ =	swait.ge [sflag:s28], $0x6400  }
0x74: {  	[sflag:s28] =	ssyncset.done $0x0  }
0x75: {  	s21 =	sadd.s32 $0x708, s21;
	s18 =	sadd.s32 $0x3200, s18;
	[sflag:s28] =	ssyncadd.s32 $0xFFFF9C00  }
0x76: {  	[tilespmem:s16], [sflag:$0x2] =	stream.indirect.gather [hbm4b:s1+s14], $0x80, s21, s14, $0xb8;
	[tilespmem:$0x1B780] =	vst v63  }
0x77: {  	_ =	swait.ge [sflag:s17], $0x6400  }
0x78: {  	[sflag:s17] =	ssyncset.done $0x0  }
0x79: {  	[sflag:s17] =	ssyncadd.s32 $0xFFFF9C00  }
0x7a: {  	[hbm4b:s9+s3] =	stream.linear.scatter [tilespmem:s15], [sflag:$0x5], $0x6400, $0x38;
	[tilespmem:$0x1B780] =	vst v63  }
0x7b: {  	_ =	swait.ge [sflag:s20], $0x6400  }
0x7c: {  	[sflag:s20] =	ssyncset.done $0x0  }
0x7d: {  	[sflag:s20] =	ssyncadd.s32 $0xFFFF9C00  }
0x7e: {  	[hbm4b:s10+s3] =	stream.linear.scatter [tilespmem:s16], [sflag:$0x6], $0x6400, $0x38;
	[tilespmem:$0x1B780] =	vst v63  }
0x7f: {  	_ =	swait.ge [sflag:s30], $0x6400  }
0x80: {  	[sflag:s30] =	ssyncset.done $0x0  }
0x81: {  	[sflag:s30] =	ssyncadd.s32 $0xFFFF9C00  }
0x82: {  	_ =	swait.ge [sflag:s31], $0x6400  }
0x83: {  	[sflag:s31] =	ssyncset.done $0x0  }
0x84: {  	s2 =	sadd.s32 $0x1, s2;
	[sflag:s31] =	ssyncadd.s32 $0xFFFF9C00  }
0x85: {  	p0 =	sne.s32 s2, s11;
	_ =	swait.ge [sflag:s24], $0x6400  }
.Ltmp1:
0x86: {  	[sflag:s24] =	ssyncset.done $0x0;
	(pc) =	sbr.rel @p0 .LBB2_1-.Ltmp1, $4  }
0x87: {  	[sflag:s24] =	ssyncadd.s32 $0xFFFF9C00  }
0x88: {  	_ =	swait.ge [sflag:s28], $0x6400  }
0x89: {  	[sflag:s28] =	ssyncset.done $0x0  }
0x8a: {  	[sflag:s28] =	ssyncadd.s32 $0xFFFF9C00  }
0x8b: {  	_ =	sfence.sel $0x180000  }
0x8c: {  	[bflag:$0x0] =	sbarrier.arrive $0xFFFF  }
0x8d: {  	_ =	strace $0x90000047  }
0x8e: {  	s0 =	stileid.u32;
	[bflag:$0x2] =	sbarrier.arrive $0xFFFF  }
0x8f: {  	p0 =	sne.s32 s0, $0x0;
	s0 =	rddreg [dreg:$0x3]  }
0x90: {  	s0 =	sadd.s32 @!p0 $0x100000, s0  }
0x91: {  	[sflag:s0] =	ssyncadd.tile.s32 @!p0 $0x1;
	_ =	shalt  }
.Lfunc_end2:
_tile_overlayer_lowered:
.L_overlay_start_2:
0x92: {  	(tag) =	ssettag $0x2  }
0x93: {  	s0 =	rddreg [dreg:$0x0];
	s2 =	stileid.u32  }
0x94: {  	s1 =	rddreg [dreg:$0x1];
	p0 =	sne.s32 s2, $0x0  }
0x95: {  	s3 =	rddreg [dreg:$0x2];
	[bflag:$0x3] =	sbarrier.arrive $0xFFFF;
	s2 =	simm.s32 @!p0 $0x1C09  }
0x96: {  	[timem:s3], [sflag:s2] =	dma.local @!p0 [hbm:s0], s1  }
0x97: {  	s0 =	simm.s32 @!p0 $0x9  }
0x98: {  	_ =	swait.ge @!p0 [sflag:s0], s1  }
0x99: {  	s1 =	ssub.s32 @!p0 $0x0, s1;
	[sflag:s0] =	ssyncset.done @!p0 $0x0  }
0x9a: {  	[sflag:s0] =	ssyncadd.s32 @!p0 s1  }
0x9b: {  	[bflag:$0x3] =	sbarrier.arrive $0xFFFF  }
0x9c: {  	_ =	shalt  }

</sc_bundles>
